<compile_context>
chip_gen: v7x
topology: tpu7x:2x2x1
jax: 0.10.2.dev20260603
libtpu: 0.0.44.dev20260713+nightly
codegen_flags: <defaults>
</compile_context>

<pallas_src>
import functools

import jax
import jax.numpy as jnp
from jax import lax
from jax.experimental import pallas as pl
from jax.experimental.pallas import tpu as pltpu
from jax.experimental.pallas import tpu_sc as plsc

VOCAB_SIZE = 100000
HIDDEN = 128
BATCH = 1024
SEQ_LEN = 200
NTOK = BATCH * SEQ_LEN

NUM_CORES = 2
NUM_SUBCORES = 16
NW = NUM_CORES * NUM_SUBCORES
TOK_PER_W = NTOK // NW
CHUNK = 80
NBLK = TOK_PER_W // CHUNK
NBUF = 8

_MESH = plsc.VectorSubcoreMesh(core_axis_name="c", subcore_axis_name="s")


@functools.partial(
    pl.kernel,
    out_type=jax.ShapeDtypeStruct((NTOK, HIDDEN), jnp.float32),
    mesh=_MESH,
    scratch_types=[
        pltpu.VMEM((NBLK, CHUNK), jnp.int32),
        pltpu.VMEM((NBUF, CHUNK, HIDDEN), jnp.float32),
        [pltpu.SemaphoreType.DMA] * NBUF,
        [pltpu.SemaphoreType.DMA] * NBUF,
    ],
)
def _embed_sc(idx_hbm, table_hbm, out_hbm, idx_v, rows_v, gsems, osems):
    wid = lax.axis_index("s") * NUM_CORES + lax.axis_index("c")
    base = wid * TOK_PER_W
    pltpu.sync_copy(idx_hbm.at[wid], idx_v)

    def start_gather(k, b):
        pltpu.async_copy(table_hbm.at[idx_v.at[k]], rows_v.at[b], gsems[b])

    def wait_gather(k, b):
        pltpu.make_async_copy(table_hbm.at[idx_v.at[k]], rows_v.at[b], gsems[b]).wait()

    def start_out(k, b):
        pltpu.async_copy(
            rows_v.at[b], out_hbm.at[pl.ds(base + k * CHUNK, CHUNK)], osems[b]
        )

    def wait_out(k, b):
        pltpu.make_async_copy(
            rows_v.at[b], out_hbm.at[pl.ds(base + k * CHUNK, CHUNK)], osems[b]
        ).wait()

    for b in range(NBUF):
        start_gather(b, b)

    @pl.loop(0, NBLK - NBUF, step=NBUF)
    def _steady(k0):
        for b in range(NBUF):
            k = k0 + b
            wait_gather(k, b)
            start_out(k, b)
            wait_out(k, b)
            start_gather(k + NBUF, b)

    for b in range(NBUF):
        k = NBLK - NBUF + b
        wait_gather(k, b)
        start_out(k, b)
        wait_out(k, b)


def kernel(input_ids, weight):
    idx = input_ids.reshape(NW, NBLK, CHUNK).astype(jnp.int32)
    out = _embed_sc(idx, weight)
    return out.reshape(BATCH, SEQ_LEN, HIDDEN)

# --- scband reference (transcript-rebuilt; emitter-appended) ---
"""Pipeline reference for scband-megatron-embedding-39805756899863 (READ-ONLY COPY).

The authoritative reference and input builder live on the scoring server;
editing this copy changes nothing except your own understanding.
"""

import jax, jax.numpy as jnp
import numpy as np

VOCAB_SIZE = 100000
HIDDEN_SIZE = 128
BATCH = 1024
SEQ_LEN = 200


def setup_inputs(seed: int = 0) -> dict:
    key = jax.random.key(seed)
    k_ids, k_w = jax.random.split(key)
    input_ids = jax.random.randint(k_ids, (BATCH, SEQ_LEN), 0, VOCAB_SIZE, dtype=jnp.int64 if jax.config.jax_enable_x64 else jnp.int32)
    weight = jax.random.normal(k_w, (VOCAB_SIZE, HIDDEN_SIZE), dtype=jnp.float32) * 0.02
    return {"input_ids": input_ids, "weight": weight}


def reference(input_ids, weight):
    # nn.functional.embedding with padding_idx=None, max_norm=None is a pure row gather
    return jnp.take(weight, input_ids, axis=0)

if __name__ == "__main__":
    import jax
    _d = setup_inputs()
    print(jax.jit(kernel)(*tuple(_d.values())))

</pallas_src>

<mosaic_0001>
#map = affine_map<(d0, d1) -> (0, 0, 0)>
#map1 = affine_map<(d0, d1) -> (0, 0)>
module attributes {stable_mosaic.version = 14 : i64} {
  func.func @_embed_sc(%arg0: i32, %arg1: i32, %arg2: memref<32x80x80xi32, #tpu.memory_space<hbm>>, %arg3: memref<100000x128xf32, #tpu.memory_space<hbm>>, %arg4: memref<204800x128xf32, #tpu.memory_space<hbm>>, %arg5: memref<80x80xi32, #tpu.memory_space<vmem>>, %arg6: memref<8x80x128xf32, #tpu.memory_space<vmem>>, %arg7: memref<!tpu.dma_semaphore, #tpu.memory_space<semaphore_mem>>, %arg8: memref<!tpu.dma_semaphore, #tpu.memory_space<semaphore_mem>>, %arg9: memref<!tpu.dma_semaphore, #tpu.memory_space<semaphore_mem>>, %arg10: memref<!tpu.dma_semaphore, #tpu.memory_space<semaphore_mem>>, %arg11: memref<!tpu.dma_semaphore, #tpu.memory_space<semaphore_mem>>, %arg12: memref<!tpu.dma_semaphore, #tpu.memory_space<semaphore_mem>>, %arg13: memref<!tpu.dma_semaphore, #tpu.memory_space<semaphore_mem>>, %arg14: memref<!tpu.dma_semaphore, #tpu.memory_space<semaphore_mem>>, %arg15: memref<!tpu.dma_semaphore, #tpu.memory_space<semaphore_mem>>, %arg16: memref<!tpu.dma_semaphore, #tpu.memory_space<semaphore_mem>>, %arg17: memref<!tpu.dma_semaphore, #tpu.memory_space<semaphore_mem>>, %arg18: memref<!tpu.dma_semaphore, #tpu.memory_space<semaphore_mem>>, %arg19: memref<!tpu.dma_semaphore, #tpu.memory_space<semaphore_mem>>, %arg20: memref<!tpu.dma_semaphore, #tpu.memory_space<semaphore_mem>>, %arg21: memref<!tpu.dma_semaphore, #tpu.memory_space<semaphore_mem>>, %arg22: memref<!tpu.dma_semaphore, #tpu.memory_space<semaphore_mem>>) attributes {dimension_semantics = [#tpu.dimension_semantics<core_parallel>, #tpu.dimension_semantics<subcore_parallel>], iteration_bounds = array<i64: 2, 16>, scalar_prefetch = 0 : i64, scratch_operands = 18 : i64, tpu.core_type = #tpu.core_type<sc_vector_subcore>, window_params = [{transform_indices = #map}, {transform_indices = #map1}, {transform_indices = #map1}]} {
    %mul3A = arith.constant 2 : i32
    %mul3A_0 = arith.muli %arg1, %mul3A : i32
    %add3A = arith.addi %mul3A_0, %arg0 : i32
    %mul3A_1 = arith.constant 6400 : i32
    %mul3A_2 = arith.muli %add3A, %mul3A_1 : i32
    "tpu.region"() ({
      %run_scoped3A = tpu.sem_alloc : memref<!tpu.dma_semaphore, #tpu.memory_space<semaphore_mem>>
      %dma_start3A_437 = arith.constant 0 : i32
      %dma_start3A_438 = arith.constant 0 : i32
      %dma_start3A_439 = tpu.memref_slice %arg2[%add3A, %dma_start3A_437, %dma_start3A_438] : memref<32x80x80xi32, #tpu.memory_space<hbm>> -> memref<1x80x80xi32, #tpu.memory_space<hbm>>
      %dma_start3A_440 = tpu.memref_squeeze %dma_start3A_439 : memref<1x80x80xi32, #tpu.memory_space<hbm>> -> memref<80x80xi32, #tpu.memory_space<hbm>>
      %dma_start3A_441 = arith.constant 0 : i32
      %dma_start3A_442 = arith.constant 0 : i32
      %dma_start3A_443 = tpu.memref_slice %arg2[%add3A, %dma_start3A_441, %dma_start3A_442] : memref<32x80x80xi32, #tpu.memory_space<hbm>> -> memref<1x80x80xi32, #tpu.memory_space<hbm>>
      %dma_start3A_444 = tpu.memref_squeeze %dma_start3A_443 : memref<1x80x80xi32, #tpu.memory_space<hbm>> -> memref<80x80xi32, #tpu.memory_space<hbm>>
      tpu.enqueue_dma source(%dma_start3A_444 : memref<80x80xi32, #tpu.memory_space<hbm>>) target(%arg5 : memref<80x80xi32, #tpu.memory_space<vmem>>) target_semaphore(%run_scoped3A : memref<!tpu.dma_semaphore, #tpu.memory_space<semaphore_mem>>)
      %dma_wait3A_445 = arith.constant 0 : i32
      %dma_wait3A_446 = arith.constant 0 : i32
      %dma_wait3A_447 = tpu.memref_slice %arg2[%add3A, %dma_wait3A_445, %dma_wait3A_446] : memref<32x80x80xi32, #tpu.memory_space<hbm>> -> memref<1x80x80xi32, #tpu.memory_space<hbm>>
      %dma_wait3A_448 = tpu.memref_squeeze %dma_wait3A_447 : memref<1x80x80xi32, #tpu.memory_space<hbm>> -> memref<80x80xi32, #tpu.memory_space<hbm>>
      %dma_wait3A_449 = arith.constant 0 : i32
      %dma_wait3A_450 = arith.constant 0 : i32
      %dma_wait3A_451 = tpu.memref_slice %arg2[%add3A, %dma_wait3A_449, %dma_wait3A_450] : memref<32x80x80xi32, #tpu.memory_space<hbm>> -> memref<1x80x80xi32, #tpu.memory_space<hbm>>
      %dma_wait3A_452 = tpu.memref_squeeze %dma_wait3A_451 : memref<1x80x80xi32, #tpu.memory_space<hbm>> -> memref<80x80xi32, #tpu.memory_space<hbm>>
      tpu.wait_dma2 semaphore(%run_scoped3A : memref<!tpu.dma_semaphore, #tpu.memory_space<semaphore_mem>>) src(%dma_wait3A_452 : memref<80x80xi32, #tpu.memory_space<hbm>>) dst(%arg5 : memref<80x80xi32, #tpu.memory_space<vmem>>)
      tpu.yield
    }) : () -> ()
    %dma_start3A = arith.constant 0 : i32
    %dma_start3A_3 = arith.constant 0 : i32
    %dma_start3A_4 = arith.constant 0 : i32
    %dma_start3A_5 = arith.constant 0 : i32
    %dma_start3A_6 = tpu.memref_slice %arg6[%dma_start3A_3, %dma_start3A_4, %dma_start3A_5] : memref<8x80x128xf32, #tpu.memory_space<vmem>> -> memref<1x80x128xf32, #tpu.memory_space<vmem>>
    %dma_start3A_7 = tpu.memref_squeeze %dma_start3A_6 : memref<1x80x128xf32, #tpu.memory_space<vmem>> -> memref<80x128xf32, #tpu.memory_space<vmem>>
    %dma_start3A_8 = arith.constant 0 : i32
    %dma_start3A_9 = tpu.memref_slice %arg5[%dma_start3A, %dma_start3A_8] : memref<80x80xi32, #tpu.memory_space<vmem>> -> memref<1x80xi32, #tpu.memory_space<vmem>>
    %dma_start3A_10 = tpu.memref_squeeze %dma_start3A_9 : memref<1x80xi32, #tpu.memory_space<vmem>> -> memref<80xi32, #tpu.memory_space<vmem>>
    %dma_start3A_11 = arith.constant 0 : i32
    %dma_start3A_12 = arith.constant 0 : i32
    %dma_start3A_13 = tpu.memref_slice %arg3[%dma_start3A_11, %dma_start3A_12] : memref<100000x128xf32, #tpu.memory_space<hbm>> -> memref<100000x128xf32, #tpu.memory_space<hbm>>
    tpu.enqueue_indirect_dma source(%dma_start3A_13 : memref<100000x128xf32, #tpu.memory_space<hbm>>) target(%dma_start3A_7 : memref<80x128xf32, #tpu.memory_space<vmem>>) offsets(%dma_start3A_10 : memref<80xi32, #tpu.memory_space<vmem>>) semaphore(%arg7 : memref<!tpu.dma_semaphore, #tpu.memory_space<semaphore_mem>>)
    %dma_start3A_14 = arith.constant 1 : i32
    %dma_start3A_15 = arith.constant 1 : i32
    %dma_start3A_16 = arith.constant 0 : i32
    %dma_start3A_17 = arith.constant 0 : i32
    %dma_start3A_18 = tpu.memref_slice %arg6[%dma_start3A_15, %dma_start3A_16, %dma_start3A_17] : memref<8x80x128xf32, #tpu.memory_space<vmem>> -> memref<1x80x128xf32, #tpu.memory_space<vmem>>
    %dma_start3A_19 = tpu.memref_squeeze %dma_start3A_18 : memref<1x80x128xf32, #tpu.memory_space<vmem>> -> memref<80x128xf32, #tpu.memory_space<vmem>>
    %dma_start3A_20 = arith.constant 0 : i32
    %dma_start3A_21 = tpu.memref_slice %arg5[%dma_start3A_14, %dma_start3A_20] : memref<80x80xi32, #tpu.memory_space<vmem>> -> memref<1x80xi32, #tpu.memory_space<vmem>>
    %dma_start3A_22 = tpu.memref_squeeze %dma_start3A_21 : memref<1x80xi32, #tpu.memory_space<vmem>> -> memref<80xi32, #tpu.memory_space<vmem>>
    %dma_start3A_23 = arith.constant 0 : i32
    %dma_start3A_24 = arith.constant 0 : i32
    %dma_start3A_25 = tpu.memref_slice %arg3[%dma_start3A_23, %dma_start3A_24] : memref<100000x128xf32, #tpu.memory_space<hbm>> -> memref<100000x128xf32, #tpu.memory_space<hbm>>
    tpu.enqueue_indirect_dma source(%dma_start3A_25 : memref<100000x128xf32, #tpu.memory_space<hbm>>) target(%dma_start3A_19 : memref<80x128xf32, #tpu.memory_space<vmem>>) offsets(%dma_start3A_22 : memref<80xi32, #tpu.memory_space<vmem>>) semaphore(%arg8 : memref<!tpu.dma_semaphore, #tpu.memory_space<semaphore_mem>>)
    %dma_start3A_26 = arith.constant 2 : i32
    %dma_start3A_27 = arith.constant 2 : i32
    %dma_start3A_28 = arith.constant 0 : i32
    %dma_start3A_29 = arith.constant 0 : i32
    %dma_start3A_30 = tpu.memref_slice %arg6[%dma_start3A_27, %dma_start3A_28, %dma_start3A_29] : memref<8x80x128xf32, #tpu.memory_space<vmem>> -> memref<1x80x128xf32, #tpu.memory_space<vmem>>
    %dma_start3A_31 = tpu.memref_squeeze %dma_start3A_30 : memref<1x80x128xf32, #tpu.memory_space<vmem>> -> memref<80x128xf32, #tpu.memory_space<vmem>>
    %dma_start3A_32 = arith.constant 0 : i32
    %dma_start3A_33 = tpu.memref_slice %arg5[%dma_start3A_26, %dma_start3A_32] : memref<80x80xi32, #tpu.memory_space<vmem>> -> memref<1x80xi32, #tpu.memory_space<vmem>>
    %dma_start3A_34 = tpu.memref_squeeze %dma_start3A_33 : memref<1x80xi32, #tpu.memory_space<vmem>> -> memref<80xi32, #tpu.memory_space<vmem>>
    %dma_start3A_35 = arith.constant 0 : i32
    %dma_start3A_36 = arith.constant 0 : i32
    %dma_start3A_37 = tpu.memref_slice %arg3[%dma_start3A_35, %dma_start3A_36] : memref<100000x128xf32, #tpu.memory_space<hbm>> -> memref<100000x128xf32, #tpu.memory_space<hbm>>
    tpu.enqueue_indirect_dma source(%dma_start3A_37 : memref<100000x128xf32, #tpu.memory_space<hbm>>) target(%dma_start3A_31 : memref<80x128xf32, #tpu.memory_space<vmem>>) offsets(%dma_start3A_34 : memref<80xi32, #tpu.memory_space<vmem>>) semaphore(%arg9 : memref<!tpu.dma_semaphore, #tpu.memory_space<semaphore_mem>>)
    %dma_start3A_38 = arith.constant 3 : i32
    %dma_start3A_39 = arith.constant 3 : i32
    %dma_start3A_40 = arith.constant 0 : i32
    %dma_start3A_41 = arith.constant 0 : i32
    %dma_start3A_42 = tpu.memref_slice %arg6[%dma_start3A_39, %dma_start3A_40, %dma_start3A_41] : memref<8x80x128xf32, #tpu.memory_space<vmem>> -> memref<1x80x128xf32, #tpu.memory_space<vmem>>
    %dma_start3A_43 = tpu.memref_squeeze %dma_start3A_42 : memref<1x80x128xf32, #tpu.memory_space<vmem>> -> memref<80x128xf32, #tpu.memory_space<vmem>>
    %dma_start3A_44 = arith.constant 0 : i32
    %dma_start3A_45 = tpu.memref_slice %arg5[%dma_start3A_38, %dma_start3A_44] : memref<80x80xi32, #tpu.memory_space<vmem>> -> memref<1x80xi32, #tpu.memory_space<vmem>>
    %dma_start3A_46 = tpu.memref_squeeze %dma_start3A_45 : memref<1x80xi32, #tpu.memory_space<vmem>> -> memref<80xi32, #tpu.memory_space<vmem>>
    %dma_start3A_47 = arith.constant 0 : i32
    %dma_start3A_48 = arith.constant 0 : i32
    %dma_start3A_49 = tpu.memref_slice %arg3[%dma_start3A_47, %dma_start3A_48] : memref<100000x128xf32, #tpu.memory_space<hbm>> -> memref<100000x128xf32, #tpu.memory_space<hbm>>
    tpu.enqueue_indirect_dma source(%dma_start3A_49 : memref<100000x128xf32, #tpu.memory_space<hbm>>) target(%dma_start3A_43 : memref<80x128xf32, #tpu.memory_space<vmem>>) offsets(%dma_start3A_46 : memref<80xi32, #tpu.memory_space<vmem>>) semaphore(%arg10 : memref<!tpu.dma_semaphore, #tpu.memory_space<semaphore_mem>>)
    %dma_start3A_50 = arith.constant 4 : i32
    %dma_start3A_51 = arith.constant 4 : i32
    %dma_start3A_52 = arith.constant 0 : i32
    %dma_start3A_53 = arith.constant 0 : i32
    %dma_start3A_54 = tpu.memref_slice %arg6[%dma_start3A_51, %dma_start3A_52, %dma_start3A_53] : memref<8x80x128xf32, #tpu.memory_space<vmem>> -> memref<1x80x128xf32, #tpu.memory_space<vmem>>
    %dma_start3A_55 = tpu.memref_squeeze %dma_start3A_54 : memref<1x80x128xf32, #tpu.memory_space<vmem>> -> memref<80x128xf32, #tpu.memory_space<vmem>>
    %dma_start3A_56 = arith.constant 0 : i32
    %dma_start3A_57 = tpu.memref_slice %arg5[%dma_start3A_50, %dma_start3A_56] : memref<80x80xi32, #tpu.memory_space<vmem>> -> memref<1x80xi32, #tpu.memory_space<vmem>>
    %dma_start3A_58 = tpu.memref_squeeze %dma_start3A_57 : memref<1x80xi32, #tpu.memory_space<vmem>> -> memref<80xi32, #tpu.memory_space<vmem>>
    %dma_start3A_59 = arith.constant 0 : i32
    %dma_start3A_60 = arith.constant 0 : i32
    %dma_start3A_61 = tpu.memref_slice %arg3[%dma_start3A_59, %dma_start3A_60] : memref<100000x128xf32, #tpu.memory_space<hbm>> -> memref<100000x128xf32, #tpu.memory_space<hbm>>
    tpu.enqueue_indirect_dma source(%dma_start3A_61 : memref<100000x128xf32, #tpu.memory_space<hbm>>) target(%dma_start3A_55 : memref<80x128xf32, #tpu.memory_space<vmem>>) offsets(%dma_start3A_58 : memref<80xi32, #tpu.memory_space<vmem>>) semaphore(%arg11 : memref<!tpu.dma_semaphore, #tpu.memory_space<semaphore_mem>>)
    %dma_start3A_62 = arith.constant 5 : i32
    %dma_start3A_63 = arith.constant 5 : i32
    %dma_start3A_64 = arith.constant 0 : i32
    %dma_start3A_65 = arith.constant 0 : i32
    %dma_start3A_66 = tpu.memref_slice %arg6[%dma_start3A_63, %dma_start3A_64, %dma_start3A_65] : memref<8x80x128xf32, #tpu.memory_space<vmem>> -> memref<1x80x128xf32, #tpu.memory_space<vmem>>
    %dma_start3A_67 = tpu.memref_squeeze %dma_start3A_66 : memref<1x80x128xf32, #tpu.memory_space<vmem>> -> memref<80x128xf32, #tpu.memory_space<vmem>>
    %dma_start3A_68 = arith.constant 0 : i32
    %dma_start3A_69 = tpu.memref_slice %arg5[%dma_start3A_62, %dma_start3A_68] : memref<80x80xi32, #tpu.memory_space<vmem>> -> memref<1x80xi32, #tpu.memory_space<vmem>>
    %dma_start3A_70 = tpu.memref_squeeze %dma_start3A_69 : memref<1x80xi32, #tpu.memory_space<vmem>> -> memref<80xi32, #tpu.memory_space<vmem>>
    %dma_start3A_71 = arith.constant 0 : i32
    %dma_start3A_72 = arith.constant 0 : i32
    %dma_start3A_73 = tpu.memref_slice %arg3[%dma_start3A_71, %dma_start3A_72] : memref<100000x128xf32, #tpu.memory_space<hbm>> -> memref<100000x128xf32, #tpu.memory_space<hbm>>
    tpu.enqueue_indirect_dma source(%dma_start3A_73 : memref<100000x128xf32, #tpu.memory_space<hbm>>) target(%dma_start3A_67 : memref<80x128xf32, #tpu.memory_space<vmem>>) offsets(%dma_start3A_70 : memref<80xi32, #tpu.memory_space<vmem>>) semaphore(%arg12 : memref<!tpu.dma_semaphore, #tpu.memory_space<semaphore_mem>>)
    %dma_start3A_74 = arith.constant 6 : i32
    %dma_start3A_75 = arith.constant 6 : i32
    %dma_start3A_76 = arith.constant 0 : i32
    %dma_start3A_77 = arith.constant 0 : i32
    %dma_start3A_78 = tpu.memref_slice %arg6[%dma_start3A_75, %dma_start3A_76, %dma_start3A_77] : memref<8x80x128xf32, #tpu.memory_space<vmem>> -> memref<1x80x128xf32, #tpu.memory_space<vmem>>
    %dma_start3A_79 = tpu.memref_squeeze %dma_start3A_78 : memref<1x80x128xf32, #tpu.memory_space<vmem>> -> memref<80x128xf32, #tpu.memory_space<vmem>>
    %dma_start3A_80 = arith.constant 0 : i32
    %dma_start3A_81 = tpu.memref_slice %arg5[%dma_start3A_74, %dma_start3A_80] : memref<80x80xi32, #tpu.memory_space<vmem>> -> memref<1x80xi32, #tpu.memory_space<vmem>>
    %dma_start3A_82 = tpu.memref_squeeze %dma_start3A_81 : memref<1x80xi32, #tpu.memory_space<vmem>> -> memref<80xi32, #tpu.memory_space<vmem>>
    %dma_start3A_83 = arith.constant 0 : i32
    %dma_start3A_84 = arith.constant 0 : i32
    %dma_start3A_85 = tpu.memref_slice %arg3[%dma_start3A_83, %dma_start3A_84] : memref<100000x128xf32, #tpu.memory_space<hbm>> -> memref<100000x128xf32, #tpu.memory_space<hbm>>
    tpu.enqueue_indirect_dma source(%dma_start3A_85 : memref<100000x128xf32, #tpu.memory_space<hbm>>) target(%dma_start3A_79 : memref<80x128xf32, #tpu.memory_space<vmem>>) offsets(%dma_start3A_82 : memref<80xi32, #tpu.memory_space<vmem>>) semaphore(%arg13 : memref<!tpu.dma_semaphore, #tpu.memory_space<semaphore_mem>>)
    %dma_start3A_86 = arith.constant 7 : i32
    %dma_start3A_87 = arith.constant 7 : i32
    %dma_start3A_88 = arith.constant 0 : i32
    %dma_start3A_89 = arith.constant 0 : i32
    %dma_start3A_90 = tpu.memref_slice %arg6[%dma_start3A_87, %dma_start3A_88, %dma_start3A_89] : memref<8x80x128xf32, #tpu.memory_space<vmem>> -> memref<1x80x128xf32, #tpu.memory_space<vmem>>
    %dma_start3A_91 = tpu.memref_squeeze %dma_start3A_90 : memref<1x80x128xf32, #tpu.memory_space<vmem>> -> memref<80x128xf32, #tpu.memory_space<vmem>>
    %dma_start3A_92 = arith.constant 0 : i32
    %dma_start3A_93 = tpu.memref_slice %arg5[%dma_start3A_86, %dma_start3A_92] : memref<80x80xi32, #tpu.memory_space<vmem>> -> memref<1x80xi32, #tpu.memory_space<vmem>>
    %dma_start3A_94 = tpu.memref_squeeze %dma_start3A_93 : memref<1x80xi32, #tpu.memory_space<vmem>> -> memref<80xi32, #tpu.memory_space<vmem>>
    %dma_start3A_95 = arith.constant 0 : i32
    %dma_start3A_96 = arith.constant 0 : i32
    %dma_start3A_97 = tpu.memref_slice %arg3[%dma_start3A_95, %dma_start3A_96] : memref<100000x128xf32, #tpu.memory_space<hbm>> -> memref<100000x128xf32, #tpu.memory_space<hbm>>
    tpu.enqueue_indirect_dma source(%dma_start3A_97 : memref<100000x128xf32, #tpu.memory_space<hbm>>) target(%dma_start3A_91 : memref<80x128xf32, #tpu.memory_space<vmem>>) offsets(%dma_start3A_94 : memref<80xi32, #tpu.memory_space<vmem>>) semaphore(%arg14 : memref<!tpu.dma_semaphore, #tpu.memory_space<semaphore_mem>>)
    %scan3A = arith.constant 0 : i32
    %scan3A_98 = arith.constant 9 : i32
    %scan3A_99 = arith.addi %scan3A, %scan3A_98 : i32
    %scan3A_100 = arith.constant 1 : i32
    scf.for %scan3A_437 = %scan3A to %scan3A_99 step %scan3A_100  : i32 {
      %mul3A_438 = arith.constant 8 : i32
      %mul3A_439 = arith.muli %scan3A_437, %mul3A_438 : i32
      %add3A_440 = arith.constant 0 : i32
      %add3A_441 = arith.addi %add3A_440, %mul3A_439 : i32
      %add3A_442 = arith.constant 0 : i32
      %add3A_443 = arith.addi %add3A_441, %add3A_442 : i32
      %dma_wait3A_444 = arith.constant 0 : i32
      %dma_wait3A_445 = arith.constant 0 : i32
      %dma_wait3A_446 = arith.constant 0 : i32
      %dma_wait3A_447 = tpu.memref_slice %arg6[%dma_wait3A_444, %dma_wait3A_445, %dma_wait3A_446] : memref<8x80x128xf32, #tpu.memory_space<vmem>> -> memref<1x80x128xf32, #tpu.memory_space<vmem>>
      %dma_wait3A_448 = tpu.memref_squeeze %dma_wait3A_447 : memref<1x80x128xf32, #tpu.memory_space<vmem>> -> memref<80x128xf32, #tpu.memory_space<vmem>>
      %dma_wait3A_449 = arith.constant 0 : i32
      %dma_wait3A_450 = tpu.memref_slice %arg5[%add3A_443, %dma_wait3A_449] : memref<80x80xi32, #tpu.memory_space<vmem>> -> memref<1x80xi32, #tpu.memory_space<vmem>>
      %dma_wait3A_451 = tpu.memref_squeeze %dma_wait3A_450 : memref<1x80xi32, #tpu.memory_space<vmem>> -> memref<80xi32, #tpu.memory_space<vmem>>
      %dma_wait3A_452 = arith.constant 0 : i32
      %dma_wait3A_453 = arith.constant 0 : i32
      %dma_wait3A_454 = tpu.memref_slice %arg3[%dma_wait3A_452, %dma_wait3A_453] : memref<100000x128xf32, #tpu.memory_space<hbm>> -> memref<100000x128xf32, #tpu.memory_space<hbm>>
      tpu.wait_indirect_dma semaphore(%arg7 : memref<!tpu.dma_semaphore, #tpu.memory_space<semaphore_mem>>) src(%dma_wait3A_454 : memref<100000x128xf32, #tpu.memory_space<hbm>>) dst(%dma_wait3A_448 : memref<80x128xf32, #tpu.memory_space<vmem>>)
      %mul3A_455 = arith.constant 80 : i32
      %mul3A_456 = arith.muli %add3A_443, %mul3A_455 : i32
      %add3A_457 = arith.addi %mul3A_2, %mul3A_456 : i32
      %dma_start3A_458 = arith.constant 0 : i32
      %dma_start3A_459 = arith.constant 0 : i32
      %dma_start3A_460 = arith.constant 0 : i32
      %dma_start3A_461 = tpu.memref_slice %arg6[%dma_start3A_458, %dma_start3A_459, %dma_start3A_460] : memref<8x80x128xf32, #tpu.memory_space<vmem>> -> memref<1x80x128xf32, #tpu.memory_space<vmem>>
      %dma_start3A_462 = tpu.memref_squeeze %dma_start3A_461 : memref<1x80x128xf32, #tpu.memory_space<vmem>> -> memref<80x128xf32, #tpu.memory_space<vmem>>
      %dma_start3A_463 = arith.constant 0 : i32
      %dma_start3A_464 = tpu.memref_slice %arg4[%add3A_457, %dma_start3A_463] : memref<204800x128xf32, #tpu.memory_space<hbm>> -> memref<80x128xf32, #tpu.memory_space<hbm>>
      %dma_start3A_465 = arith.constant 0 : i32
      %dma_start3A_466 = tpu.memref_slice %arg4[%add3A_457, %dma_start3A_465] : memref<204800x128xf32, #tpu.memory_space<hbm>> -> memref<80x128xf32, #tpu.memory_space<hbm>>
      %dma_start3A_467 = arith.constant 0 : i32
      %dma_start3A_468 = arith.constant 0 : i32
      %dma_start3A_469 = tpu.memref_slice %arg6[%dma_start3A_458, %dma_start3A_467, %dma_start3A_468] : memref<8x80x128xf32, #tpu.memory_space<vmem>> -> memref<1x80x128xf32, #tpu.memory_space<vmem>>
      %dma_start3A_470 = tpu.memref_squeeze %dma_start3A_469 : memref<1x80x128xf32, #tpu.memory_space<vmem>> -> memref<80x128xf32, #tpu.memory_space<vmem>>
      tpu.enqueue_dma source(%dma_start3A_470 : memref<80x128xf32, #tpu.memory_space<vmem>>) target(%dma_start3A_466 : memref<80x128xf32, #tpu.memory_space<hbm>>) target_semaphore(%arg15 : memref<!tpu.dma_semaphore, #tpu.memory_space<semaphore_mem>>)
      %mul3A_471 = arith.constant 80 : i32
      %mul3A_472 = arith.muli %add3A_443, %mul3A_471 : i32
      %add3A_473 = arith.addi %mul3A_2, %mul3A_472 : i32
      %dma_wait3A_474 = arith.constant 0 : i32
      %dma_wait3A_475 = arith.constant 0 : i32
      %dma_wait3A_476 = arith.constant 0 : i32
      %dma_wait3A_477 = tpu.memref_slice %arg6[%dma_wait3A_474, %dma_wait3A_475, %dma_wait3A_476] : memref<8x80x128xf32, #tpu.memory_space<vmem>> -> memref<1x80x128xf32, #tpu.memory_space<vmem>>
      %dma_wait3A_478 = tpu.memref_squeeze %dma_wait3A_477 : memref<1x80x128xf32, #tpu.memory_space<vmem>> -> memref<80x128xf32, #tpu.memory_space<vmem>>
      %dma_wait3A_479 = arith.constant 0 : i32
      %dma_wait3A_480 = tpu.memref_slice %arg4[%add3A_473, %dma_wait3A_479] : memref<204800x128xf32, #tpu.memory_space<hbm>> -> memref<80x128xf32, #tpu.memory_space<hbm>>
      %dma_wait3A_481 = arith.constant 0 : i32
      %dma_wait3A_482 = tpu.memref_slice %arg4[%add3A_473, %dma_wait3A_481] : memref<204800x128xf32, #tpu.memory_space<hbm>> -> memref<80x128xf32, #tpu.memory_space<hbm>>
      %dma_wait3A_483 = arith.constant 0 : i32
      %dma_wait3A_484 = arith.constant 0 : i32
      %dma_wait3A_485 = tpu.memref_slice %arg6[%dma_wait3A_474, %dma_wait3A_483, %dma_wait3A_484] : memref<8x80x128xf32, #tpu.memory_space<vmem>> -> memref<1x80x128xf32, #tpu.memory_space<vmem>>
      %dma_wait3A_486 = tpu.memref_squeeze %dma_wait3A_485 : memref<1x80x128xf32, #tpu.memory_space<vmem>> -> memref<80x128xf32, #tpu.memory_space<vmem>>
      tpu.wait_dma2 semaphore(%arg15 : memref<!tpu.dma_semaphore, #tpu.memory_space<semaphore_mem>>) src(%dma_wait3A_486 : memref<80x128xf32, #tpu.memory_space<vmem>>) dst(%dma_wait3A_482 : memref<80x128xf32, #tpu.memory_space<hbm>>)
      %add3A_487 = arith.constant 8 : i32
      %add3A_488 = arith.addi %add3A_443, %add3A_487 : i32
      %dma_start3A_489 = arith.constant 0 : i32
      %dma_start3A_490 = arith.constant 0 : i32
      %dma_start3A_491 = arith.constant 0 : i32
      %dma_start3A_492 = tpu.memref_slice %arg6[%dma_start3A_489, %dma_start3A_490, %dma_start3A_491] : memref<8x80x128xf32, #tpu.memory_space<vmem>> -> memref<1x80x128xf32, #tpu.memory_space<vmem>>
      %dma_start3A_493 = tpu.memref_squeeze %dma_start3A_492 : memref<1x80x128xf32, #tpu.memory_space<vmem>> -> memref<80x128xf32, #tpu.memory_space<vmem>>
      %dma_start3A_494 = arith.constant 0 : i32
      %dma_start3A_495 = tpu.memref_slice %arg5[%add3A_488, %dma_start3A_494] : memref<80x80xi32, #tpu.memory_space<vmem>> -> memref<1x80xi32, #tpu.memory_space<vmem>>
      %dma_start3A_496 = tpu.memref_squeeze %dma_start3A_495 : memref<1x80xi32, #tpu.memory_space<vmem>> -> memref<80xi32, #tpu.memory_space<vmem>>
      %dma_start3A_497 = arith.constant 0 : i32
      %dma_start3A_498 = arith.constant 0 : i32
      %dma_start3A_499 = tpu.memref_slice %arg3[%dma_start3A_497, %dma_start3A_498] : memref<100000x128xf32, #tpu.memory_space<hbm>> -> memref<100000x128xf32, #tpu.memory_space<hbm>>
      tpu.enqueue_indirect_dma source(%dma_start3A_499 : memref<100000x128xf32, #tpu.memory_space<hbm>>) target(%dma_start3A_493 : memref<80x128xf32, #tpu.memory_space<vmem>>) offsets(%dma_start3A_496 : memref<80xi32, #tpu.memory_space<vmem>>) semaphore(%arg7 : memref<!tpu.dma_semaphore, #tpu.memory_space<semaphore_mem>>)
      %add3A_500 = arith.constant 1 : i32
      %add3A_501 = arith.addi %add3A_441, %add3A_500 : i32
      %dma_wait3A_502 = arith.constant 1 : i32
      %dma_wait3A_503 = arith.constant 0 : i32
      %dma_wait3A_504 = arith.constant 0 : i32
      %dma_wait3A_505 = tpu.memref_slice %arg6[%dma_wait3A_502, %dma_wait3A_503, %dma_wait3A_504] : memref<8x80x128xf32, #tpu.memory_space<vmem>> -> memref<1x80x128xf32, #tpu.memory_space<vmem>>
      %dma_wait3A_506 = tpu.memref_squeeze %dma_wait3A_505 : memref<1x80x128xf32, #tpu.memory_space<vmem>> -> memref<80x128xf32, #tpu.memory_space<vmem>>
      %dma_wait3A_507 = arith.constant 0 : i32
      %dma_wait3A_508 = tpu.memref_slice %arg5[%add3A_501, %dma_wait3A_507] : memref<80x80xi32, #tpu.memory_space<vmem>> -> memref<1x80xi32, #tpu.memory_space<vmem>>
      %dma_wait3A_509 = tpu.memref_squeeze %dma_wait3A_508 : memref<1x80xi32, #tpu.memory_space<vmem>> -> memref<80xi32, #tpu.memory_space<vmem>>
      %dma_wait3A_510 = arith.constant 0 : i32
      %dma_wait3A_511 = arith.constant 0 : i32
      %dma_wait3A_512 = tpu.memref_slice %arg3[%dma_wait3A_510, %dma_wait3A_511] : memref<100000x128xf32, #tpu.memory_space<hbm>> -> memref<100000x128xf32, #tpu.memory_space<hbm>>
      tpu.wait_indirect_dma semaphore(%arg8 : memref<!tpu.dma_semaphore, #tpu.memory_space<semaphore_mem>>) src(%dma_wait3A_512 : memref<100000x128xf32, #tpu.memory_space<hbm>>) dst(%dma_wait3A_506 : memref<80x128xf32, #tpu.memory_space<vmem>>)
      %mul3A_513 = arith.constant 80 : i32
      %mul3A_514 = arith.muli %add3A_501, %mul3A_513 : i32
      %add3A_515 = arith.addi %mul3A_2, %mul3A_514 : i32
      %dma_start3A_516 = arith.constant 1 : i32
      %dma_start3A_517 = arith.constant 0 : i32
      %dma_start3A_518 = arith.constant 0 : i32
      %dma_start3A_519 = tpu.memref_slice %arg6[%dma_start3A_516, %dma_start3A_517, %dma_start3A_518] : memref<8x80x128xf32, #tpu.memory_space<vmem>> -> memref<1x80x128xf32, #tpu.memory_space<vmem>>
      %dma_start3A_520 = tpu.memref_squeeze %dma_start3A_519 : memref<1x80x128xf32, #tpu.memory_space<vmem>> -> memref<80x128xf32, #tpu.memory_space<vmem>>
      %dma_start3A_521 = arith.constant 0 : i32
      %dma_start3A_522 = tpu.memref_slice %arg4[%add3A_515, %dma_start3A_521] : memref<204800x128xf32, #tpu.memory_space<hbm>> -> memref<80x128xf32, #tpu.memory_space<hbm>>
      %dma_start3A_523 = arith.constant 0 : i32
      %dma_start3A_524 = tpu.memref_slice %arg4[%add3A_515, %dma_start3A_523] : memref<204800x128xf32, #tpu.memory_space<hbm>> -> memref<80x128xf32, #tpu.memory_space<hbm>>
      %dma_start3A_525 = arith.constant 0 : i32
      %dma_start3A_526 = arith.constant 0 : i32
      %dma_start3A_527 = tpu.memref_slice %arg6[%dma_start3A_516, %dma_start3A_525, %dma_start3A_526] : memref<8x80x128xf32, #tpu.memory_space<vmem>> -> memref<1x80x128xf32, #tpu.memory_space<vmem>>
      %dma_start3A_528 = tpu.memref_squeeze %dma_start3A_527 : memref<1x80x128xf32, #tpu.memory_space<vmem>> -> memref<80x128xf32, #tpu.memory_space<vmem>>
      tpu.enqueue_dma source(%dma_start3A_528 : memref<80x128xf32, #tpu.memory_space<vmem>>) target(%dma_start3A_524 : memref<80x128xf32, #tpu.memory_space<hbm>>) target_semaphore(%arg16 : memref<!tpu.dma_semaphore, #tpu.memory_space<semaphore_mem>>)
      %mul3A_529 = arith.constant 80 : i32
      %mul3A_530 = arith.muli %add3A_501, %mul3A_529 : i32
      %add3A_531 = arith.addi %mul3A_2, %mul3A_530 : i32
      %dma_wait3A_532 = arith.constant 1 : i32
      %dma_wait3A_533 = arith.constant 0 : i32
      %dma_wait3A_534 = arith.constant 0 : i32
      %dma_wait3A_535 = tpu.memref_slice %arg6[%dma_wait3A_532, %dma_wait3A_533, %dma_wait3A_534] : memref<8x80x128xf32, #tpu.memory_space<vmem>> -> memref<1x80x128xf32, #tpu.memory_space<vmem>>
      %dma_wait3A_536 = tpu.memref_squeeze %dma_wait3A_535 : memref<1x80x128xf32, #tpu.memory_space<vmem>> -> memref<80x128xf32, #tpu.memory_space<vmem>>
      %dma_wait3A_537 = arith.constant 0 : i32
      %dma_wait3A_538 = tpu.memref_slice %arg4[%add3A_531, %dma_wait3A_537] : memref<204800x128xf32, #tpu.memory_space<hbm>> -> memref<80x128xf32, #tpu.memory_space<hbm>>
      %dma_wait3A_539 = arith.constant 0 : i32
      %dma_wait3A_540 = tpu.memref_slice %arg4[%add3A_531, %dma_wait3A_539] : memref<204800x128xf32, #tpu.memory_space<hbm>> -> memref<80x128xf32, #tpu.memory_space<hbm>>
      %dma_wait3A_541 = arith.constant 0 : i32
      %dma_wait3A_542 = arith.constant 0 : i32
      %dma_wait3A_543 = tpu.memref_slice %arg6[%dma_wait3A_532, %dma_wait3A_541, %dma_wait3A_542] : memref<8x80x128xf32, #tpu.memory_space<vmem>> -> memref<1x80x128xf32, #tpu.memory_space<vmem>>
      %dma_wait3A_544 = tpu.memref_squeeze %dma_wait3A_543 : memref<1x80x128xf32, #tpu.memory_space<vmem>> -> memref<80x128xf32, #tpu.memory_space<vmem>>
      tpu.wait_dma2 semaphore(%arg16 : memref<!tpu.dma_semaphore, #tpu.memory_space<semaphore_mem>>) src(%dma_wait3A_544 : memref<80x128xf32, #tpu.memory_space<vmem>>) dst(%dma_wait3A_540 : memref<80x128xf32, #tpu.memory_space<hbm>>)
      %add3A_545 = arith.constant 8 : i32
      %add3A_546 = arith.addi %add3A_501, %add3A_545 : i32
      %dma_start3A_547 = arith.constant 1 : i32
      %dma_start3A_548 = arith.constant 0 : i32
      %dma_start3A_549 = arith.constant 0 : i32
      %dma_start3A_550 = tpu.memref_slice %arg6[%dma_start3A_547, %dma_start3A_548, %dma_start3A_549] : memref<8x80x128xf32, #tpu.memory_space<vmem>> -> memref<1x80x128xf32, #tpu.memory_space<vmem>>
      %dma_start3A_551 = tpu.memref_squeeze %dma_start3A_550 : memref<1x80x128xf32, #tpu.memory_space<vmem>> -> memref<80x128xf32, #tpu.memory_space<vmem>>
      %dma_start3A_552 = arith.constant 0 : i32
      %dma_start3A_553 = tpu.memref_slice %arg5[%add3A_546, %dma_start3A_552] : memref<80x80xi32, #tpu.memory_space<vmem>> -> memref<1x80xi32, #tpu.memory_space<vmem>>
      %dma_start3A_554 = tpu.memref_squeeze %dma_start3A_553 : memref<1x80xi32, #tpu.memory_space<vmem>> -> memref<80xi32, #tpu.memory_space<vmem>>
      %dma_start3A_555 = arith.constant 0 : i32
      %dma_start3A_556 = arith.constant 0 : i32
      %dma_start3A_557 = tpu.memref_slice %arg3[%dma_start3A_555, %dma_start3A_556] : memref<100000x128xf32, #tpu.memory_space<hbm>> -> memref<100000x128xf32, #tpu.memory_space<hbm>>
      tpu.enqueue_indirect_dma source(%dma_start3A_557 : memref<100000x128xf32, #tpu.memory_space<hbm>>) target(%dma_start3A_551 : memref<80x128xf32, #tpu.memory_space<vmem>>) offsets(%dma_start3A_554 : memref<80xi32, #tpu.memory_space<vmem>>) semaphore(%arg8 : memref<!tpu.dma_semaphore, #tpu.memory_space<semaphore_mem>>)
      %add3A_558 = arith.constant 2 : i32
      %add3A_559 = arith.addi %add3A_441, %add3A_558 : i32
      %dma_wait3A_560 = arith.constant 2 : i32
      %dma_wait3A_561 = arith.constant 0 : i32
      %dma_wait3A_562 = arith.constant 0 : i32
      %dma_wait3A_563 = tpu.memref_slice %arg6[%dma_wait3A_560, %dma_wait3A_561, %dma_wait3A_562] : memref<8x80x128xf32, #tpu.memory_space<vmem>> -> memref<1x80x128xf32, #tpu.memory_space<vmem>>
      %dma_wait3A_564 = tpu.memref_squeeze %dma_wait3A_563 : memref<1x80x128xf32, #tpu.memory_space<vmem>> -> memref<80x128xf32, #tpu.memory_space<vmem>>
      %dma_wait3A_565 = arith.constant 0 : i32
      %dma_wait3A_566 = tpu.memref_slice %arg5[%add3A_559, %dma_wait3A_565] : memref<80x80xi32, #tpu.memory_space<vmem>> -> memref<1x80xi32, #tpu.memory_space<vmem>>
      %dma_wait3A_567 = tpu.memref_squeeze %dma_wait3A_566 : memref<1x80xi32, #tpu.memory_space<vmem>> -> memref<80xi32, #tpu.memory_space<vmem>>
      %dma_wait3A_568 = arith.constant 0 : i32
      %dma_wait3A_569 = arith.constant 0 : i32
      %dma_wait3A_570 = tpu.memref_slice %arg3[%dma_wait3A_568, %dma_wait3A_569] : memref<100000x128xf32, #tpu.memory_space<hbm>> -> memref<100000x128xf32, #tpu.memory_space<hbm>>
      tpu.wait_indirect_dma semaphore(%arg9 : memref<!tpu.dma_semaphore, #tpu.memory_space<semaphore_mem>>) src(%dma_wait3A_570 : memref<100000x128xf32, #tpu.memory_space<hbm>>) dst(%dma_wait3A_564 : memref<80x128xf32, #tpu.memory_space<vmem>>)
      %mul3A_571 = arith.constant 80 : i32
      %mul3A_572 = arith.muli %add3A_559, %mul3A_571 : i32
      %add3A_573 = arith.addi %mul3A_2, %mul3A_572 : i32
      %dma_start3A_574 = arith.constant 2 : i32
      %dma_start3A_575 = arith.constant 0 : i32
      %dma_start3A_576 = arith.constant 0 : i32
      %dma_start3A_577 = tpu.memref_slice %arg6[%dma_start3A_574, %dma_start3A_575, %dma_start3A_576] : memref<8x80x128xf32, #tpu.memory_space<vmem>> -> memref<1x80x128xf32, #tpu.memory_space<vmem>>
      %dma_start3A_578 = tpu.memref_squeeze %dma_start3A_577 : memref<1x80x128xf32, #tpu.memory_space<vmem>> -> memref<80x128xf32, #tpu.memory_space<vmem>>
      %dma_start3A_579 = arith.constant 0 : i32
      %dma_start3A_580 = tpu.memref_slice %arg4[%add3A_573, %dma_start3A_579] : memref<204800x128xf32, #tpu.memory_space<hbm>> -> memref<80x128xf32, #tpu.memory_space<hbm>>
      %dma_start3A_581 = arith.constant 0 : i32
      %dma_start3A_582 = tpu.memref_slice %arg4[%add3A_573, %dma_start3A_581] : memref<204800x128xf32, #tpu.memory_space<hbm>> -> memref<80x128xf32, #tpu.memory_space<hbm>>
      %dma_start3A_583 = arith.constant 0 : i32
      %dma_start3A_584 = arith.constant 0 : i32
      %dma_start3A_585 = tpu.memref_slice %arg6[%dma_start3A_574, %dma_start3A_583, %dma_start3A_584] : memref<8x80x128xf32, #tpu.memory_space<vmem>> -> memref<1x80x128xf32, #tpu.memory_space<vmem>>
      %dma_start3A_586 = tpu.memref_squeeze %dma_start3A_585 : memref<1x80x128xf32, #tpu.memory_space<vmem>> -> memref<80x128xf32, #tpu.memory_space<vmem>>
      tpu.enqueue_dma source(%dma_start3A_586 : memref<80x128xf32, #tpu.memory_space<vmem>>) target(%dma_start3A_582 : memref<80x128xf32, #tpu.memory_space<hbm>>) target_semaphore(%arg17 : memref<!tpu.dma_semaphore, #tpu.memory_space<semaphore_mem>>)
      %mul3A_587 = arith.constant 80 : i32
      %mul3A_588 = arith.muli %add3A_559, %mul3A_587 : i32
      %add3A_589 = arith.addi %mul3A_2, %mul3A_588 : i32
      %dma_wait3A_590 = arith.constant 2 : i32
      %dma_wait3A_591 = arith.constant 0 : i32
      %dma_wait3A_592 = arith.constant 0 : i32
      %dma_wait3A_593 = tpu.memref_slice %arg6[%dma_wait3A_590, %dma_wait3A_591, %dma_wait3A_592] : memref<8x80x128xf32, #tpu.memory_space<vmem>> -> memref<1x80x128xf32, #tpu.memory_space<vmem>>
      %dma_wait3A_594 = tpu.memref_squeeze %dma_wait3A_593 : memref<1x80x128xf32, #tpu.memory_space<vmem>> -> memref<80x128xf32, #tpu.memory_space<vmem>>
      %dma_wait3A_595 = arith.constant 0 : i32
      %dma_wait3A_596 = tpu.memref_slice %arg4[%add3A_589, %dma_wait3A_595] : memref<204800x128xf32, #tpu.memory_space<hbm>> -> memref<80x128xf32, #tpu.memory_space<hbm>>
      %dma_wait3A_597 = arith.constant 0 : i32
      %dma_wait3A_598 = tpu.memref_slice %arg4[%add3A_589, %dma_wait3A_597] : memref<204800x128xf32, #tpu.memory_space<hbm>> -> memref<80x128xf32, #tpu.memory_space<hbm>>
      %dma_wait3A_599 = arith.constant 0 : i32
      %dma_wait3A_600 = arith.constant 0 : i32
      %dma_wait3A_601 = tpu.memref_slice %arg6[%dma_wait3A_590, %dma_wait3A_599, %dma_wait3A_600] : memref<8x80x128xf32, #tpu.memory_space<vmem>> -> memref<1x80x128xf32, #tpu.memory_space<vmem>>
      %dma_wait3A_602 = tpu.memref_squeeze %dma_wait3A_601 : memref<1x80x128xf32, #tpu.memory_space<vmem>> -> memref<80x128xf32, #tpu.memory_space<vmem>>
      tpu.wait_dma2 semaphore(%arg17 : memref<!tpu.dma_semaphore, #tpu.memory_space<semaphore_mem>>) src(%dma_wait3A_602 : memref<80x128xf32, #tpu.memory_space<vmem>>) dst(%dma_wait3A_598 : memref<80x128xf32, #tpu.memory_space<hbm>>)
      %add3A_603 = arith.constant 8 : i32
      %add3A_604 = arith.addi %add3A_559, %add3A_603 : i32
      %dma_start3A_605 = arith.constant 2 : i32
      %dma_start3A_606 = arith.constant 0 : i32
      %dma_start3A_607 = arith.constant 0 : i32
      %dma_start3A_608 = tpu.memref_slice %arg6[%dma_start3A_605, %dma_start3A_606, %dma_start3A_607] : memref<8x80x128xf32, #tpu.memory_space<vmem>> -> memref<1x80x128xf32, #tpu.memory_space<vmem>>
      %dma_start3A_609 = tpu.memref_squeeze %dma_start3A_608 : memref<1x80x128xf32, #tpu.memory_space<vmem>> -> memref<80x128xf32, #tpu.memory_space<vmem>>
      %dma_start3A_610 = arith.constant 0 : i32
      %dma_start3A_611 = tpu.memref_slice %arg5[%add3A_604, %dma_start3A_610] : memref<80x80xi32, #tpu.memory_space<vmem>> -> memref<1x80xi32, #tpu.memory_space<vmem>>
      %dma_start3A_612 = tpu.memref_squeeze %dma_start3A_611 : memref<1x80xi32, #tpu.memory_space<vmem>> -> memref<80xi32, #tpu.memory_space<vmem>>
      %dma_start3A_613 = arith.constant 0 : i32
      %dma_start3A_614 = arith.constant 0 : i32
      %dma_start3A_615 = tpu.memref_slice %arg3[%dma_start3A_613, %dma_start3A_614] : memref<100000x128xf32, #tpu.memory_space<hbm>> -> memref<100000x128xf32, #tpu.memory_space<hbm>>
      tpu.enqueue_indirect_dma source(%dma_start3A_615 : memref<100000x128xf32, #tpu.memory_space<hbm>>) target(%dma_start3A_609 : memref<80x128xf32, #tpu.memory_space<vmem>>) offsets(%dma_start3A_612 : memref<80xi32, #tpu.memory_space<vmem>>) semaphore(%arg9 : memref<!tpu.dma_semaphore, #tpu.memory_space<semaphore_mem>>)
      %add3A_616 = arith.constant 3 : i32
      %add3A_617 = arith.addi %add3A_441, %add3A_616 : i32
      %dma_wait3A_618 = arith.constant 3 : i32
      %dma_wait3A_619 = arith.constant 0 : i32
      %dma_wait3A_620 = arith.constant 0 : i32
      %dma_wait3A_621 = tpu.memref_slice %arg6[%dma_wait3A_618, %dma_wait3A_619, %dma_wait3A_620] : memref<8x80x128xf32, #tpu.memory_space<vmem>> -> memref<1x80x128xf32, #tpu.memory_space<vmem>>
      %dma_wait3A_622 = tpu.memref_squeeze %dma_wait3A_621 : memref<1x80x128xf32, #tpu.memory_space<vmem>> -> memref<80x128xf32, #tpu.memory_space<vmem>>
      %dma_wait3A_623 = arith.constant 0 : i32
      %dma_wait3A_624 = tpu.memref_slice %arg5[%add3A_617, %dma_wait3A_623] : memref<80x80xi32, #tpu.memory_space<vmem>> -> memref<1x80xi32, #tpu.memory_space<vmem>>
      %dma_wait3A_625 = tpu.memref_squeeze %dma_wait3A_624 : memref<1x80xi32, #tpu.memory_space<vmem>> -> memref<80xi32, #tpu.memory_space<vmem>>
      %dma_wait3A_626 = arith.constant 0 : i32
      %dma_wait3A_627 = arith.constant 0 : i32
      %dma_wait3A_628 = tpu.memref_slice %arg3[%dma_wait3A_626, %dma_wait3A_627] : memref<100000x128xf32, #tpu.memory_space<hbm>> -> memref<100000x128xf32, #tpu.memory_space<hbm>>
      tpu.wait_indirect_dma semaphore(%arg10 : memref<!tpu.dma_semaphore, #tpu.memory_space<semaphore_mem>>) src(%dma_wait3A_628 : memref<100000x128xf32, #tpu.memory_space<hbm>>) dst(%dma_wait3A_622 : memref<80x128xf32, #tpu.memory_space<vmem>>)
      %mul3A_629 = arith.constant 80 : i32
      %mul3A_630 = arith.muli %add3A_617, %mul3A_629 : i32
      %add3A_631 = arith.addi %mul3A_2, %mul3A_630 : i32
      %dma_start3A_632 = arith.constant 3 : i32
      %dma_start3A_633 = arith.constant 0 : i32
      %dma_start3A_634 = arith.constant 0 : i32
      %dma_start3A_635 = tpu.memref_slice %arg6[%dma_start3A_632, %dma_start3A_633, %dma_start3A_634] : memref<8x80x128xf32, #tpu.memory_space<vmem>> -> memref<1x80x128xf32, #tpu.memory_space<vmem>>
      %dma_start3A_636 = tpu.memref_squeeze %dma_start3A_635 : memref<1x80x128xf32, #tpu.memory_space<vmem>> -> memref<80x128xf32, #tpu.memory_space<vmem>>
      %dma_start3A_637 = arith.constant 0 : i32
      %dma_start3A_638 = tpu.memref_slice %arg4[%add3A_631, %dma_start3A_637] : memref<204800x128xf32, #tpu.memory_space<hbm>> -> memref<80x128xf32, #tpu.memory_space<hbm>>
      %dma_start3A_639 = arith.constant 0 : i32
      %dma_start3A_640 = tpu.memref_slice %arg4[%add3A_631, %dma_start3A_639] : memref<204800x128xf32, #tpu.memory_space<hbm>> -> memref<80x128xf32, #tpu.memory_space<hbm>>
      %dma_start3A_641 = arith.constant 0 : i32
      %dma_start3A_642 = arith.constant 0 : i32
      %dma_start3A_643 = tpu.memref_slice %arg6[%dma_start3A_632, %dma_start3A_641, %dma_start3A_642] : memref<8x80x128xf32, #tpu.memory_space<vmem>> -> memref<1x80x128xf32, #tpu.memory_space<vmem>>
      %dma_start3A_644 = tpu.memref_squeeze %dma_start3A_643 : memref<1x80x128xf32, #tpu.memory_space<vmem>> -> memref<80x128xf32, #tpu.memory_space<vmem>>
      tpu.enqueue_dma source(%dma_start3A_644 : memref<80x128xf32, #tpu.memory_space<vmem>>) target(%dma_start3A_640 : memref<80x128xf32, #tpu.memory_space<hbm>>) target_semaphore(%arg18 : memref<!tpu.dma_semaphore, #tpu.memory_space<semaphore_mem>>)
      %mul3A_645 = arith.constant 80 : i32
      %mul3A_646 = arith.muli %add3A_617, %mul3A_645 : i32
      %add3A_647 = arith.addi %mul3A_2, %mul3A_646 : i32
      %dma_wait3A_648 = arith.constant 3 : i32
      %dma_wait3A_649 = arith.constant 0 : i32
      %dma_wait3A_650 = arith.constant 0 : i32
      %dma_wait3A_651 = tpu.memref_slice %arg6[%dma_wait3A_648, %dma_wait3A_649, %dma_wait3A_650] : memref<8x80x128xf32, #tpu.memory_space<vmem>> -> memref<1x80x128xf32, #tpu.memory_space<vmem>>
      %dma_wait3A_652 = tpu.memref_squeeze %dma_wait3A_651 : memref<1x80x128xf32, #tpu.memory_space<vmem>> -> memref<80x128xf32, #tpu.memory_space<vmem>>
      %dma_wait3A_653 = arith.constant 0 : i32
      %dma_wait3A_654 = tpu.memref_slice %arg4[%add3A_647, %dma_wait3A_653] : memref<204800x128xf32, #tpu.memory_space<hbm>> -> memref<80x128xf32, #tpu.memory_space<hbm>>
      %dma_wait3A_655 = arith.constant 0 : i32
      %dma_wait3A_656 = tpu.memref_slice %arg4[%add3A_647, %dma_wait3A_655] : memref<204800x128xf32, #tpu.memory_space<hbm>> -> memref<80x128xf32, #tpu.memory_space<hbm>>
      %dma_wait3A_657 = arith.constant 0 : i32
      %dma_wait3A_658 = arith.constant 0 : i32
      %dma_wait3A_659 = tpu.memref_slice %arg6[%dma_wait3A_648, %dma_wait3A_657, %dma_wait3A_658] : memref<8x80x128xf32, #tpu.memory_space<vmem>> -> memref<1x80x128xf32, #tpu.memory_space<vmem>>
      %dma_wait3A_660 = tpu.memref_squeeze %dma_wait3A_659 : memref<1x80x128xf32, #tpu.memory_space<vmem>> -> memref<80x128xf32, #tpu.memory_space<vmem>>
      tpu.wait_dma2 semaphore(%arg18 : memref<!tpu.dma_semaphore, #tpu.memory_space<semaphore_mem>>) src(%dma_wait3A_660 : memref<80x128xf32, #tpu.memory_space<vmem>>) dst(%dma_wait3A_656 : memref<80x128xf32, #tpu.memory_space<hbm>>)
      %add3A_661 = arith.constant 8 : i32
      %add3A_662 = arith.addi %add3A_617, %add3A_661 : i32
      %dma_start3A_663 = arith.constant 3 : i32
      %dma_start3A_664 = arith.constant 0 : i32
      %dma_start3A_665 = arith.constant 0 : i32
      %dma_start3A_666 = tpu.memref_slice %arg6[%dma_start3A_663, %dma_start3A_664, %dma_start3A_665] : memref<8x80x128xf32, #tpu.memory_space<vmem>> -> memref<1x80x128xf32, #tpu.memory_space<vmem>>
      %dma_start3A_667 = tpu.memref_squeeze %dma_start3A_666 : memref<1x80x128xf32, #tpu.memory_space<vmem>> -> memref<80x128xf32, #tpu.memory_space<vmem>>
      %dma_start3A_668 = arith.constant 0 : i32
      %dma_start3A_669 = tpu.memref_slice %arg5[%add3A_662, %dma_start3A_668] : memref<80x80xi32, #tpu.memory_space<vmem>> -> memref<1x80xi32, #tpu.memory_space<vmem>>
      %dma_start3A_670 = tpu.memref_squeeze %dma_start3A_669 : memref<1x80xi32, #tpu.memory_space<vmem>> -> memref<80xi32, #tpu.memory_space<vmem>>
      %dma_start3A_671 = arith.constant 0 : i32
      %dma_start3A_672 = arith.constant 0 : i32
      %dma_start3A_673 = tpu.memref_slice %arg3[%dma_start3A_671, %dma_start3A_672] : memref<100000x128xf32, #tpu.memory_space<hbm>> -> memref<100000x128xf32, #tpu.memory_space<hbm>>
      tpu.enqueue_indirect_dma source(%dma_start3A_673 : memref<100000x128xf32, #tpu.memory_space<hbm>>) target(%dma_start3A_667 : memref<80x128xf32, #tpu.memory_space<vmem>>) offsets(%dma_start3A_670 : memref<80xi32, #tpu.memory_space<vmem>>) semaphore(%arg10 : memref<!tpu.dma_semaphore, #tpu.memory_space<semaphore_mem>>)
      %add3A_674 = arith.constant 4 : i32
      %add3A_675 = arith.addi %add3A_441, %add3A_674 : i32
      %dma_wait3A_676 = arith.constant 4 : i32
      %dma_wait3A_677 = arith.constant 0 : i32
      %dma_wait3A_678 = arith.constant 0 : i32
      %dma_wait3A_679 = tpu.memref_slice %arg6[%dma_wait3A_676, %dma_wait3A_677, %dma_wait3A_678] : memref<8x80x128xf32, #tpu.memory_space<vmem>> -> memref<1x80x128xf32, #tpu.memory_space<vmem>>
      %dma_wait3A_680 = tpu.memref_squeeze %dma_wait3A_679 : memref<1x80x128xf32, #tpu.memory_space<vmem>> -> memref<80x128xf32, #tpu.memory_space<vmem>>
      %dma_wait3A_681 = arith.constant 0 : i32
      %dma_wait3A_682 = tpu.memref_slice %arg5[%add3A_675, %dma_wait3A_681] : memref<80x80xi32, #tpu.memory_space<vmem>> -> memref<1x80xi32, #tpu.memory_space<vmem>>
      %dma_wait3A_683 = tpu.memref_squeeze %dma_wait3A_682 : memref<1x80xi32, #tpu.memory_space<vmem>> -> memref<80xi32, #tpu.memory_space<vmem>>
      %dma_wait3A_684 = arith.constant 0 : i32
      %dma_wait3A_685 = arith.constant 0 : i32
      %dma_wait3A_686 = tpu.memref_slice %arg3[%dma_wait3A_684, %dma_wait3A_685] : memref<100000x128xf32, #tpu.memory_space<hbm>> -> memref<100000x128xf32, #tpu.memory_space<hbm>>
      tpu.wait_indirect_dma semaphore(%arg11 : memref<!tpu.dma_semaphore, #tpu.memory_space<semaphore_mem>>) src(%dma_wait3A_686 : memref<100000x128xf32, #tpu.memory_space<hbm>>) dst(%dma_wait3A_680 : memref<80x128xf32, #tpu.memory_space<vmem>>)
      %mul3A_687 = arith.constant 80 : i32
      %mul3A_688 = arith.muli %add3A_675, %mul3A_687 : i32
      %add3A_689 = arith.addi %mul3A_2, %mul3A_688 : i32
      %dma_start3A_690 = arith.constant 4 : i32
      %dma_start3A_691 = arith.constant 0 : i32
      %dma_start3A_692 = arith.constant 0 : i32
      %dma_start3A_693 = tpu.memref_slice %arg6[%dma_start3A_690, %dma_start3A_691, %dma_start3A_692] : memref<8x80x128xf32, #tpu.memory_space<vmem>> -> memref<1x80x128xf32, #tpu.memory_space<vmem>>
      %dma_start3A_694 = tpu.memref_squeeze %dma_start3A_693 : memref<1x80x128xf32, #tpu.memory_space<vmem>> -> memref<80x128xf32, #tpu.memory_space<vmem>>
      %dma_start3A_695 = arith.constant 0 : i32
      %dma_start3A_696 = tpu.memref_slice %arg4[%add3A_689, %dma_start3A_695] : memref<204800x128xf32, #tpu.memory_space<hbm>> -> memref<80x128xf32, #tpu.memory_space<hbm>>
      %dma_start3A_697 = arith.constant 0 : i32
      %dma_start3A_698 = tpu.memref_slice %arg4[%add3A_689, %dma_start3A_697] : memref<204800x128xf32, #tpu.memory_space<hbm>> -> memref<80x128xf32, #tpu.memory_space<hbm>>
      %dma_start3A_699 = arith.constant 0 : i32
      %dma_start3A_700 = arith.constant 0 : i32
      %dma_start3A_701 = tpu.memref_slice %arg6[%dma_start3A_690, %dma_start3A_699, %dma_start3A_700] : memref<8x80x128xf32, #tpu.memory_space<vmem>> -> memref<1x80x128xf32, #tpu.memory_space<vmem>>
      %dma_start3A_702 = tpu.memref_squeeze %dma_start3A_701 : memref<1x80x128xf32, #tpu.memory_space<vmem>> -> memref<80x128xf32, #tpu.memory_space<vmem>>
      tpu.enqueue_dma source(%dma_start3A_702 : memref<80x128xf32, #tpu.memory_space<vmem>>) target(%dma_start3A_698 : memref<80x128xf32, #tpu.memory_space<hbm>>) target_semaphore(%arg19 : memref<!tpu.dma_semaphore, #tpu.memory_space<semaphore_mem>>)
      %mul3A_703 = arith.constant 80 : i32
      %mul3A_704 = arith.muli %add3A_675, %mul3A_703 : i32
      %add3A_705 = arith.addi %mul3A_2, %mul3A_704 : i32
      %dma_wait3A_706 = arith.constant 4 : i32
      %dma_wait3A_707 = arith.constant 0 : i32
      %dma_wait3A_708 = arith.constant 0 : i32
      %dma_wait3A_709 = tpu.memref_slice %arg6[%dma_wait3A_706, %dma_wait3A_707, %dma_wait3A_708] : memref<8x80x128xf32, #tpu.memory_space<vmem>> -> memref<1x80x128xf32, #tpu.memory_space<vmem>>
      %dma_wait3A_710 = tpu.memref_squeeze %dma_wait3A_709 : memref<1x80x128xf32, #tpu.memory_space<vmem>> -> memref<80x128xf32, #tpu.memory_space<vmem>>
      %dma_wait3A_711 = arith.constant 0 : i32
      %dma_wait3A_712 = tpu.memref_slice %arg4[%add3A_705, %dma_wait3A_711] : memref<204800x128xf32, #tpu.memory_space<hbm>> -> memref<80x128xf32, #tpu.memory_space<hbm>>
      %dma_wait3A_713 = arith.constant 0 : i32
      %dma_wait3A_714 = tpu.memref_slice %arg4[%add3A_705, %dma_wait3A_713] : memref<204800x128xf32, #tpu.memory_space<hbm>> -> memref<80x128xf32, #tpu.memory_space<hbm>>
      %dma_wait3A_715 = arith.constant 0 : i32
      %dma_wait3A_716 = arith.constant 0 : i32
      %dma_wait3A_717 = tpu.memref_slice %arg6[%dma_wait3A_706, %dma_wait3A_715, %dma_wait3A_716] : memref<8x80x128xf32, #tpu.memory_space<vmem>> -> memref<1x80x128xf32, #tpu.memory_space<vmem>>
      %dma_wait3A_718 = tpu.memref_squeeze %dma_wait3A_717 : memref<1x80x128xf32, #tpu.memory_space<vmem>> -> memref<80x128xf32, #tpu.memory_space<vmem>>
      tpu.wait_dma2 semaphore(%arg19 : memref<!tpu.dma_semaphore, #tpu.memory_space<semaphore_mem>>) src(%dma_wait3A_718 : memref<80x128xf32, #tpu.memory_space<vmem>>) dst(%dma_wait3A_714 : memref<80x128xf32, #tpu.memory_space<hbm>>)
      %add3A_719 = arith.constant 8 : i32
      %add3A_720 = arith.addi %add3A_675, %add3A_719 : i32
      %dma_start3A_721 = arith.constant 4 : i32
      %dma_start3A_722 = arith.constant 0 : i32
      %dma_start3A_723 = arith.constant 0 : i32
      %dma_start3A_724 = tpu.memref_slice %arg6[%dma_start3A_721, %dma_start3A_722, %dma_start3A_723] : memref<8x80x128xf32, #tpu.memory_space<vmem>> -> memref<1x80x128xf32, #tpu.memory_space<vmem>>
      %dma_start3A_725 = tpu.memref_squeeze %dma_start3A_724 : memref<1x80x128xf32, #tpu.memory_space<vmem>> -> memref<80x128xf32, #tpu.memory_space<vmem>>
      %dma_start3A_726 = arith.constant 0 : i32
      %dma_start3A_727 = tpu.memref_slice %arg5[%add3A_720, %dma_start3A_726] : memref<80x80xi32, #tpu.memory_space<vmem>> -> memref<1x80xi32, #tpu.memory_space<vmem>>
      %dma_start3A_728 = tpu.memref_squeeze %dma_start3A_727 : memref<1x80xi32, #tpu.memory_space<vmem>> -> memref<80xi32, #tpu.memory_space<vmem>>
      %dma_start3A_729 = arith.constant 0 : i32
      %dma_start3A_730 = arith.constant 0 : i32
      %dma_start3A_731 = tpu.memref_slice %arg3[%dma_start3A_729, %dma_start3A_730] : memref<100000x128xf32, #tpu.memory_space<hbm>> -> memref<100000x128xf32, #tpu.memory_space<hbm>>
      tpu.enqueue_indirect_dma source(%dma_start3A_731 : memref<100000x128xf32, #tpu.memory_space<hbm>>) target(%dma_start3A_725 : memref<80x128xf32, #tpu.memory_space<vmem>>) offsets(%dma_start3A_728 : memref<80xi32, #tpu.memory_space<vmem>>) semaphore(%arg11 : memref<!tpu.dma_semaphore, #tpu.memory_space<semaphore_mem>>)
      %add3A_732 = arith.constant 5 : i32
      %add3A_733 = arith.addi %add3A_441, %add3A_732 : i32
      %dma_wait3A_734 = arith.constant 5 : i32
      %dma_wait3A_735 = arith.constant 0 : i32
      %dma_wait3A_736 = arith.constant 0 : i32
      %dma_wait3A_737 = tpu.memref_slice %arg6[%dma_wait3A_734, %dma_wait3A_735, %dma_wait3A_736] : memref<8x80x128xf32, #tpu.memory_space<vmem>> -> memref<1x80x128xf32, #tpu.memory_space<vmem>>
      %dma_wait3A_738 = tpu.memref_squeeze %dma_wait3A_737 : memref<1x80x128xf32, #tpu.memory_space<vmem>> -> memref<80x128xf32, #tpu.memory_space<vmem>>
      %dma_wait3A_739 = arith.constant 0 : i32
      %dma_wait3A_740 = tpu.memref_slice %arg5[%add3A_733, %dma_wait3A_739] : memref<80x80xi32, #tpu.memory_space<vmem>> -> memref<1x80xi32, #tpu.memory_space<vmem>>
      %dma_wait3A_741 = tpu.memref_squeeze %dma_wait3A_740 : memref<1x80xi32, #tpu.memory_space<vmem>> -> memref<80xi32, #tpu.memory_space<vmem>>
      %dma_wait3A_742 = arith.constant 0 : i32
      %dma_wait3A_743 = arith.constant 0 : i32
      %dma_wait3A_744 = tpu.memref_slice %arg3[%dma_wait3A_742, %dma_wait3A_743] : memref<100000x128xf32, #tpu.memory_space<hbm>> -> memref<100000x128xf32, #tpu.memory_space<hbm>>
      tpu.wait_indirect_dma semaphore(%arg12 : memref<!tpu.dma_semaphore, #tpu.memory_space<semaphore_mem>>) src(%dma_wait3A_744 : memref<100000x128xf32, #tpu.memory_space<hbm>>) dst(%dma_wait3A_738 : memref<80x128xf32, #tpu.memory_space<vmem>>)
      %mul3A_745 = arith.constant 80 : i32
      %mul3A_746 = arith.muli %add3A_733, %mul3A_745 : i32
      %add3A_747 = arith.addi %mul3A_2, %mul3A_746 : i32
      %dma_start3A_748 = arith.constant 5 : i32
      %dma_start3A_749 = arith.constant 0 : i32
      %dma_start3A_750 = arith.constant 0 : i32
      %dma_start3A_751 = tpu.memref_slice %arg6[%dma_start3A_748, %dma_start3A_749, %dma_start3A_750] : memref<8x80x128xf32, #tpu.memory_space<vmem>> -> memref<1x80x128xf32, #tpu.memory_space<vmem>>
      %dma_start3A_752 = tpu.memref_squeeze %dma_start3A_751 : memref<1x80x128xf32, #tpu.memory_space<vmem>> -> memref<80x128xf32, #tpu.memory_space<vmem>>
      %dma_start3A_753 = arith.constant 0 : i32
      %dma_start3A_754 = tpu.memref_slice %arg4[%add3A_747, %dma_start3A_753] : memref<204800x128xf32, #tpu.memory_space<hbm>> -> memref<80x128xf32, #tpu.memory_space<hbm>>
      %dma_start3A_755 = arith.constant 0 : i32
      %dma_start3A_756 = tpu.memref_slice %arg4[%add3A_747, %dma_start3A_755] : memref<204800x128xf32, #tpu.memory_space<hbm>> -> memref<80x128xf32, #tpu.memory_space<hbm>>
      %dma_start3A_757 = arith.constant 0 : i32
      %dma_start3A_758 = arith.constant 0 : i32
      %dma_start3A_759 = tpu.memref_slice %arg6[%dma_start3A_748, %dma_start3A_757, %dma_start3A_758] : memref<8x80x128xf32, #tpu.memory_space<vmem>> -> memref<1x80x128xf32, #tpu.memory_space<vmem>>
      %dma_start3A_760 = tpu.memref_squeeze %dma_start3A_759 : memref<1x80x128xf32, #tpu.memory_space<vmem>> -> memref<80x128xf32, #tpu.memory_space<vmem>>
      tpu.enqueue_dma source(%dma_start3A_760 : memref<80x128xf32, #tpu.memory_space<vmem>>) target(%dma_start3A_756 : memref<80x128xf32, #tpu.memory_space<hbm>>) target_semaphore(%arg20 : memref<!tpu.dma_semaphore, #tpu.memory_space<semaphore_mem>>)
      %mul3A_761 = arith.constant 80 : i32
      %mul3A_762 = arith.muli %add3A_733, %mul3A_761 : i32
      %add3A_763 = arith.addi %mul3A_2, %mul3A_762 : i32
      %dma_wait3A_764 = arith.constant 5 : i32
      %dma_wait3A_765 = arith.constant 0 : i32
      %dma_wait3A_766 = arith.constant 0 : i32
      %dma_wait3A_767 = tpu.memref_slice %arg6[%dma_wait3A_764, %dma_wait3A_765, %dma_wait3A_766] : memref<8x80x128xf32, #tpu.memory_space<vmem>> -> memref<1x80x128xf32, #tpu.memory_space<vmem>>
      %dma_wait3A_768 = tpu.memref_squeeze %dma_wait3A_767 : memref<1x80x128xf32, #tpu.memory_space<vmem>> -> memref<80x128xf32, #tpu.memory_space<vmem>>
      %dma_wait3A_769 = arith.constant 0 : i32
      %dma_wait3A_770 = tpu.memref_slice %arg4[%add3A_763, %dma_wait3A_769] : memref<204800x128xf32, #tpu.memory_space<hbm>> -> memref<80x128xf32, #tpu.memory_space<hbm>>
      %dma_wait3A_771 = arith.constant 0 : i32
      %dma_wait3A_772 = tpu.memref_slice %arg4[%add3A_763, %dma_wait3A_771] : memref<204800x128xf32, #tpu.memory_space<hbm>> -> memref<80x128xf32, #tpu.memory_space<hbm>>
      %dma_wait3A_773 = arith.constant 0 : i32
      %dma_wait3A_774 = arith.constant 0 : i32
      %dma_wait3A_775 = tpu.memref_slice %arg6[%dma_wait3A_764, %dma_wait3A_773, %dma_wait3A_774] : memref<8x80x128xf32, #tpu.memory_space<vmem>> -> memref<1x80x128xf32, #tpu.memory_space<vmem>>
      %dma_wait3A_776 = tpu.memref_squeeze %dma_wait3A_775 : memref<1x80x128xf32, #tpu.memory_space<vmem>> -> memref<80x128xf32, #tpu.memory_space<vmem>>
      tpu.wait_dma2 semaphore(%arg20 : memref<!tpu.dma_semaphore, #tpu.memory_space<semaphore_mem>>) src(%dma_wait3A_776 : memref<80x128xf32, #tpu.memory_space<vmem>>) dst(%dma_wait3A_772 : memref<80x128xf32, #tpu.memory_space<hbm>>)
      %add3A_777 = arith.constant 8 : i32
      %add3A_778 = arith.addi %add3A_733, %add3A_777 : i32
      %dma_start3A_779 = arith.constant 5 : i32
      %dma_start3A_780 = arith.constant 0 : i32
      %dma_start3A_781 = arith.constant 0 : i32
      %dma_start3A_782 = tpu.memref_slice %arg6[%dma_start3A_779, %dma_start3A_780, %dma_start3A_781] : memref<8x80x128xf32, #tpu.memory_space<vmem>> -> memref<1x80x128xf32, #tpu.memory_space<vmem>>
      %dma_start3A_783 = tpu.memref_squeeze %dma_start3A_782 : memref<1x80x128xf32, #tpu.memory_space<vmem>> -> memref<80x128xf32, #tpu.memory_space<vmem>>
      %dma_start3A_784 = arith.constant 0 : i32
      %dma_start3A_785 = tpu.memref_slice %arg5[%add3A_778, %dma_start3A_784] : memref<80x80xi32, #tpu.memory_space<vmem>> -> memref<1x80xi32, #tpu.memory_space<vmem>>
      %dma_start3A_786 = tpu.memref_squeeze %dma_start3A_785 : memref<1x80xi32, #tpu.memory_space<vmem>> -> memref<80xi32, #tpu.memory_space<vmem>>
      %dma_start3A_787 = arith.constant 0 : i32
      %dma_start3A_788 = arith.constant 0 : i32
      %dma_start3A_789 = tpu.memref_slice %arg3[%dma_start3A_787, %dma_start3A_788] : memref<100000x128xf32, #tpu.memory_space<hbm>> -> memref<100000x128xf32, #tpu.memory_space<hbm>>
      tpu.enqueue_indirect_dma source(%dma_start3A_789 : memref<100000x128xf32, #tpu.memory_space<hbm>>) target(%dma_start3A_783 : memref<80x128xf32, #tpu.memory_space<vmem>>) offsets(%dma_start3A_786 : memref<80xi32, #tpu.memory_space<vmem>>) semaphore(%arg12 : memref<!tpu.dma_semaphore, #tpu.memory_space<semaphore_mem>>)
      %add3A_790 = arith.constant 6 : i32
      %add3A_791 = arith.addi %add3A_441, %add3A_790 : i32
      %dma_wait3A_792 = arith.constant 6 : i32
      %dma_wait3A_793 = arith.constant 0 : i32
      %dma_wait3A_794 = arith.constant 0 : i32
      %dma_wait3A_795 = tpu.memref_slice %arg6[%dma_wait3A_792, %dma_wait3A_793, %dma_wait3A_794] : memref<8x80x128xf32, #tpu.memory_space<vmem>> -> memref<1x80x128xf32, #tpu.memory_space<vmem>>
      %dma_wait3A_796 = tpu.memref_squeeze %dma_wait3A_795 : memref<1x80x128xf32, #tpu.memory_space<vmem>> -> memref<80x128xf32, #tpu.memory_space<vmem>>
      %dma_wait3A_797 = arith.constant 0 : i32
      %dma_wait3A_798 = tpu.memref_slice %arg5[%add3A_791, %dma_wait3A_797] : memref<80x80xi32, #tpu.memory_space<vmem>> -> memref<1x80xi32, #tpu.memory_space<vmem>>
      %dma_wait3A_799 = tpu.memref_squeeze %dma_wait3A_798 : memref<1x80xi32, #tpu.memory_space<vmem>> -> memref<80xi32, #tpu.memory_space<vmem>>
      %dma_wait3A_800 = arith.constant 0 : i32
      %dma_wait3A_801 = arith.constant 0 : i32
      %dma_wait3A_802 = tpu.memref_slice %arg3[%dma_wait3A_800, %dma_wait3A_801] : memref<100000x128xf32, #tpu.memory_space<hbm>> -> memref<100000x128xf32, #tpu.memory_space<hbm>>
      tpu.wait_indirect_dma semaphore(%arg13 : memref<!tpu.dma_semaphore, #tpu.memory_space<semaphore_mem>>) src(%dma_wait3A_802 : memref<100000x128xf32, #tpu.memory_space<hbm>>) dst(%dma_wait3A_796 : memref<80x128xf32, #tpu.memory_space<vmem>>)
      %mul3A_803 = arith.constant 80 : i32
      %mul3A_804 = arith.muli %add3A_791, %mul3A_803 : i32
      %add3A_805 = arith.addi %mul3A_2, %mul3A_804 : i32
      %dma_start3A_806 = arith.constant 6 : i32
      %dma_start3A_807 = arith.constant 0 : i32
      %dma_start3A_808 = arith.constant 0 : i32
      %dma_start3A_809 = tpu.memref_slice %arg6[%dma_start3A_806, %dma_start3A_807, %dma_start3A_808] : memref<8x80x128xf32, #tpu.memory_space<vmem>> -> memref<1x80x128xf32, #tpu.memory_space<vmem>>
      %dma_start3A_810 = tpu.memref_squeeze %dma_start3A_809 : memref<1x80x128xf32, #tpu.memory_space<vmem>> -> memref<80x128xf32, #tpu.memory_space<vmem>>
      %dma_start3A_811 = arith.constant 0 : i32
      %dma_start3A_812 = tpu.memref_slice %arg4[%add3A_805, %dma_start3A_811] : memref<204800x128xf32, #tpu.memory_space<hbm>> -> memref<80x128xf32, #tpu.memory_space<hbm>>
      %dma_start3A_813 = arith.constant 0 : i32
      %dma_start3A_814 = tpu.memref_slice %arg4[%add3A_805, %dma_start3A_813] : memref<204800x128xf32, #tpu.memory_space<hbm>> -> memref<80x128xf32, #tpu.memory_space<hbm>>
      %dma_start3A_815 = arith.constant 0 : i32
      %dma_start3A_816 = arith.constant 0 : i32
      %dma_start3A_817 = tpu.memref_slice %arg6[%dma_start3A_806, %dma_start3A_815, %dma_start3A_816] : memref<8x80x128xf32, #tpu.memory_space<vmem>> -> memref<1x80x128xf32, #tpu.memory_space<vmem>>
      %dma_start3A_818 = tpu.memref_squeeze %dma_start3A_817 : memref<1x80x128xf32, #tpu.memory_space<vmem>> -> memref<80x128xf32, #tpu.memory_space<vmem>>
      tpu.enqueue_dma source(%dma_start3A_818 : memref<80x128xf32, #tpu.memory_space<vmem>>) target(%dma_start3A_814 : memref<80x128xf32, #tpu.memory_space<hbm>>) target_semaphore(%arg21 : memref<!tpu.dma_semaphore, #tpu.memory_space<semaphore_mem>>)
      %mul3A_819 = arith.constant 80 : i32
      %mul3A_820 = arith.muli %add3A_791, %mul3A_819 : i32
      %add3A_821 = arith.addi %mul3A_2, %mul3A_820 : i32
      %dma_wait3A_822 = arith.constant 6 : i32
      %dma_wait3A_823 = arith.constant 0 : i32
      %dma_wait3A_824 = arith.constant 0 : i32
      %dma_wait3A_825 = tpu.memref_slice %arg6[%dma_wait3A_822, %dma_wait3A_823, %dma_wait3A_824] : memref<8x80x128xf32, #tpu.memory_space<vmem>> -> memref<1x80x128xf32, #tpu.memory_space<vmem>>
      %dma_wait3A_826 = tpu.memref_squeeze %dma_wait3A_825 : memref<1x80x128xf32, #tpu.memory_space<vmem>> -> memref<80x128xf32, #tpu.memory_space<vmem>>
      %dma_wait3A_827 = arith.constant 0 : i32
      %dma_wait3A_828 = tpu.memref_slice %arg4[%add3A_821, %dma_wait3A_827] : memref<204800x128xf32, #tpu.memory_space<hbm>> -> memref<80x128xf32, #tpu.memory_space<hbm>>
      %dma_wait3A_829 = arith.constant 0 : i32
      %dma_wait3A_830 = tpu.memref_slice %arg4[%add3A_821, %dma_wait3A_829] : memref<204800x128xf32, #tpu.memory_space<hbm>> -> memref<80x128xf32, #tpu.memory_space<hbm>>
      %dma_wait3A_831 = arith.constant 0 : i32
      %dma_wait3A_832 = arith.constant 0 : i32
      %dma_wait3A_833 = tpu.memref_slice %arg6[%dma_wait3A_822, %dma_wait3A_831, %dma_wait3A_832] : memref<8x80x128xf32, #tpu.memory_space<vmem>> -> memref<1x80x128xf32, #tpu.memory_space<vmem>>
      %dma_wait3A_834 = tpu.memref_squeeze %dma_wait3A_833 : memref<1x80x128xf32, #tpu.memory_space<vmem>> -> memref<80x128xf32, #tpu.memory_space<vmem>>
      tpu.wait_dma2 semaphore(%arg21 : memref<!tpu.dma_semaphore, #tpu.memory_space<semaphore_mem>>) src(%dma_wait3A_834 : memref<80x128xf32, #tpu.memory_space<vmem>>) dst(%dma_wait3A_830 : memref<80x128xf32, #tpu.memory_space<hbm>>)
      %add3A_835 = arith.constant 8 : i32
      %add3A_836 = arith.addi %add3A_791, %add3A_835 : i32
      %dma_start3A_837 = arith.constant 6 : i32
      %dma_start3A_838 = arith.constant 0 : i32
      %dma_start3A_839 = arith.constant 0 : i32
      %dma_start3A_840 = tpu.memref_slice %arg6[%dma_start3A_837, %dma_start3A_838, %dma_start3A_839] : memref<8x80x128xf32, #tpu.memory_space<vmem>> -> memref<1x80x128xf32, #tpu.memory_space<vmem>>
      %dma_start3A_841 = tpu.memref_squeeze %dma_start3A_840 : memref<1x80x128xf32, #tpu.memory_space<vmem>> -> memref<80x128xf32, #tpu.memory_space<vmem>>
      %dma_start3A_842 = arith.constant 0 : i32
      %dma_start3A_843 = tpu.memref_slice %arg5[%add3A_836, %dma_start3A_842] : memref<80x80xi32, #tpu.memory_space<vmem>> -> memref<1x80xi32, #tpu.memory_space<vmem>>
      %dma_start3A_844 = tpu.memref_squeeze %dma_start3A_843 : memref<1x80xi32, #tpu.memory_space<vmem>> -> memref<80xi32, #tpu.memory_space<vmem>>
      %dma_start3A_845 = arith.constant 0 : i32
      %dma_start3A_846 = arith.constant 0 : i32
      %dma_start3A_847 = tpu.memref_slice %arg3[%dma_start3A_845, %dma_start3A_846] : memref<100000x128xf32, #tpu.memory_space<hbm>> -> memref<100000x128xf32, #tpu.memory_space<hbm>>
      tpu.enqueue_indirect_dma source(%dma_start3A_847 : memref<100000x128xf32, #tpu.memory_space<hbm>>) target(%dma_start3A_841 : memref<80x128xf32, #tpu.memory_space<vmem>>) offsets(%dma_start3A_844 : memref<80xi32, #tpu.memory_space<vmem>>) semaphore(%arg13 : memref<!tpu.dma_semaphore, #tpu.memory_space<semaphore_mem>>)
      %add3A_848 = arith.constant 7 : i32
      %add3A_849 = arith.addi %add3A_441, %add3A_848 : i32
      %dma_wait3A_850 = arith.constant 7 : i32
      %dma_wait3A_851 = arith.constant 0 : i32
      %dma_wait3A_852 = arith.constant 0 : i32
      %dma_wait3A_853 = tpu.memref_slice %arg6[%dma_wait3A_850, %dma_wait3A_851, %dma_wait3A_852] : memref<8x80x128xf32, #tpu.memory_space<vmem>> -> memref<1x80x128xf32, #tpu.memory_space<vmem>>
      %dma_wait3A_854 = tpu.memref_squeeze %dma_wait3A_853 : memref<1x80x128xf32, #tpu.memory_space<vmem>> -> memref<80x128xf32, #tpu.memory_space<vmem>>
      %dma_wait3A_855 = arith.constant 0 : i32
      %dma_wait3A_856 = tpu.memref_slice %arg5[%add3A_849, %dma_wait3A_855] : memref<80x80xi32, #tpu.memory_space<vmem>> -> memref<1x80xi32, #tpu.memory_space<vmem>>
      %dma_wait3A_857 = tpu.memref_squeeze %dma_wait3A_856 : memref<1x80xi32, #tpu.memory_space<vmem>> -> memref<80xi32, #tpu.memory_space<vmem>>
      %dma_wait3A_858 = arith.constant 0 : i32
      %dma_wait3A_859 = arith.constant 0 : i32
      %dma_wait3A_860 = tpu.memref_slice %arg3[%dma_wait3A_858, %dma_wait3A_859] : memref<100000x128xf32, #tpu.memory_space<hbm>> -> memref<100000x128xf32, #tpu.memory_space<hbm>>
      tpu.wait_indirect_dma semaphore(%arg14 : memref<!tpu.dma_semaphore, #tpu.memory_space<semaphore_mem>>) src(%dma_wait3A_860 : memref<100000x128xf32, #tpu.memory_space<hbm>>) dst(%dma_wait3A_854 : memref<80x128xf32, #tpu.memory_space<vmem>>)
      %mul3A_861 = arith.constant 80 : i32
      %mul3A_862 = arith.muli %add3A_849, %mul3A_861 : i32
      %add3A_863 = arith.addi %mul3A_2, %mul3A_862 : i32
      %dma_start3A_864 = arith.constant 7 : i32
      %dma_start3A_865 = arith.constant 0 : i32
      %dma_start3A_866 = arith.constant 0 : i32
      %dma_start3A_867 = tpu.memref_slice %arg6[%dma_start3A_864, %dma_start3A_865, %dma_start3A_866] : memref<8x80x128xf32, #tpu.memory_space<vmem>> -> memref<1x80x128xf32, #tpu.memory_space<vmem>>
      %dma_start3A_868 = tpu.memref_squeeze %dma_start3A_867 : memref<1x80x128xf32, #tpu.memory_space<vmem>> -> memref<80x128xf32, #tpu.memory_space<vmem>>
      %dma_start3A_869 = arith.constant 0 : i32
      %dma_start3A_870 = tpu.memref_slice %arg4[%add3A_863, %dma_start3A_869] : memref<204800x128xf32, #tpu.memory_space<hbm>> -> memref<80x128xf32, #tpu.memory_space<hbm>>
      %dma_start3A_871 = arith.constant 0 : i32
      %dma_start3A_872 = tpu.memref_slice %arg4[%add3A_863, %dma_start3A_871] : memref<204800x128xf32, #tpu.memory_space<hbm>> -> memref<80x128xf32, #tpu.memory_space<hbm>>
      %dma_start3A_873 = arith.constant 0 : i32
      %dma_start3A_874 = arith.constant 0 : i32
      %dma_start3A_875 = tpu.memref_slice %arg6[%dma_start3A_864, %dma_start3A_873, %dma_start3A_874] : memref<8x80x128xf32, #tpu.memory_space<vmem>> -> memref<1x80x128xf32, #tpu.memory_space<vmem>>
      %dma_start3A_876 = tpu.memref_squeeze %dma_start3A_875 : memref<1x80x128xf32, #tpu.memory_space<vmem>> -> memref<80x128xf32, #tpu.memory_space<vmem>>
      tpu.enqueue_dma source(%dma_start3A_876 : memref<80x128xf32, #tpu.memory_space<vmem>>) target(%dma_start3A_872 : memref<80x128xf32, #tpu.memory_space<hbm>>) target_semaphore(%arg22 : memref<!tpu.dma_semaphore, #tpu.memory_space<semaphore_mem>>)
      %mul3A_877 = arith.constant 80 : i32
      %mul3A_878 = arith.muli %add3A_849, %mul3A_877 : i32
      %add3A_879 = arith.addi %mul3A_2, %mul3A_878 : i32
      %dma_wait3A_880 = arith.constant 7 : i32
      %dma_wait3A_881 = arith.constant 0 : i32
      %dma_wait3A_882 = arith.constant 0 : i32
      %dma_wait3A_883 = tpu.memref_slice %arg6[%dma_wait3A_880, %dma_wait3A_881, %dma_wait3A_882] : memref<8x80x128xf32, #tpu.memory_space<vmem>> -> memref<1x80x128xf32, #tpu.memory_space<vmem>>
      %dma_wait3A_884 = tpu.memref_squeeze %dma_wait3A_883 : memref<1x80x128xf32, #tpu.memory_space<vmem>> -> memref<80x128xf32, #tpu.memory_space<vmem>>
      %dma_wait3A_885 = arith.constant 0 : i32
      %dma_wait3A_886 = tpu.memref_slice %arg4[%add3A_879, %dma_wait3A_885] : memref<204800x128xf32, #tpu.memory_space<hbm>> -> memref<80x128xf32, #tpu.memory_space<hbm>>
      %dma_wait3A_887 = arith.constant 0 : i32
      %dma_wait3A_888 = tpu.memref_slice %arg4[%add3A_879, %dma_wait3A_887] : memref<204800x128xf32, #tpu.memory_space<hbm>> -> memref<80x128xf32, #tpu.memory_space<hbm>>
      %dma_wait3A_889 = arith.constant 0 : i32
      %dma_wait3A_890 = arith.constant 0 : i32
      %dma_wait3A_891 = tpu.memref_slice %arg6[%dma_wait3A_880, %dma_wait3A_889, %dma_wait3A_890] : memref<8x80x128xf32, #tpu.memory_space<vmem>> -> memref<1x80x128xf32, #tpu.memory_space<vmem>>
      %dma_wait3A_892 = tpu.memref_squeeze %dma_wait3A_891 : memref<1x80x128xf32, #tpu.memory_space<vmem>> -> memref<80x128xf32, #tpu.memory_space<vmem>>
      tpu.wait_dma2 semaphore(%arg22 : memref<!tpu.dma_semaphore, #tpu.memory_space<semaphore_mem>>) src(%dma_wait3A_892 : memref<80x128xf32, #tpu.memory_space<vmem>>) dst(%dma_wait3A_888 : memref<80x128xf32, #tpu.memory_space<hbm>>)
      %add3A_893 = arith.constant 8 : i32
      %add3A_894 = arith.addi %add3A_849, %add3A_893 : i32
      %dma_start3A_895 = arith.constant 7 : i32
      %dma_start3A_896 = arith.constant 0 : i32
      %dma_start3A_897 = arith.constant 0 : i32
      %dma_start3A_898 = tpu.memref_slice %arg6[%dma_start3A_895, %dma_start3A_896, %dma_start3A_897] : memref<8x80x128xf32, #tpu.memory_space<vmem>> -> memref<1x80x128xf32, #tpu.memory_space<vmem>>
      %dma_start3A_899 = tpu.memref_squeeze %dma_start3A_898 : memref<1x80x128xf32, #tpu.memory_space<vmem>> -> memref<80x128xf32, #tpu.memory_space<vmem>>
      %dma_start3A_900 = arith.constant 0 : i32
      %dma_start3A_901 = tpu.memref_slice %arg5[%add3A_894, %dma_start3A_900] : memref<80x80xi32, #tpu.memory_space<vmem>> -> memref<1x80xi32, #tpu.memory_space<vmem>>
      %dma_start3A_902 = tpu.memref_squeeze %dma_start3A_901 : memref<1x80xi32, #tpu.memory_space<vmem>> -> memref<80xi32, #tpu.memory_space<vmem>>
      %dma_start3A_903 = arith.constant 0 : i32
      %dma_start3A_904 = arith.constant 0 : i32
      %dma_start3A_905 = tpu.memref_slice %arg3[%dma_start3A_903, %dma_start3A_904] : memref<100000x128xf32, #tpu.memory_space<hbm>> -> memref<100000x128xf32, #tpu.memory_space<hbm>>
      tpu.enqueue_indirect_dma source(%dma_start3A_905 : memref<100000x128xf32, #tpu.memory_space<hbm>>) target(%dma_start3A_899 : memref<80x128xf32, #tpu.memory_space<vmem>>) offsets(%dma_start3A_902 : memref<80xi32, #tpu.memory_space<vmem>>) semaphore(%arg14 : memref<!tpu.dma_semaphore, #tpu.memory_space<semaphore_mem>>)
    }
    %scan3A_101 = arith.constant 9 : i32
    %dma_wait3A = arith.constant 72 : i32
    %dma_wait3A_102 = arith.constant 0 : i32
    %dma_wait3A_103 = arith.constant 0 : i32
    %dma_wait3A_104 = arith.constant 0 : i32
    %dma_wait3A_105 = tpu.memref_slice %arg6[%dma_wait3A_102, %dma_wait3A_103, %dma_wait3A_104] : memref<8x80x128xf32, #tpu.memory_space<vmem>> -> memref<1x80x128xf32, #tpu.memory_space<vmem>>
    %dma_wait3A_106 = tpu.memref_squeeze %dma_wait3A_105 : memref<1x80x128xf32, #tpu.memory_space<vmem>> -> memref<80x128xf32, #tpu.memory_space<vmem>>
    %dma_wait3A_107 = arith.constant 0 : i32
    %dma_wait3A_108 = tpu.memref_slice %arg5[%dma_wait3A, %dma_wait3A_107] : memref<80x80xi32, #tpu.memory_space<vmem>> -> memref<1x80xi32, #tpu.memory_space<vmem>>
    %dma_wait3A_109 = tpu.memref_squeeze %dma_wait3A_108 : memref<1x80xi32, #tpu.memory_space<vmem>> -> memref<80xi32, #tpu.memory_space<vmem>>
    %dma_wait3A_110 = arith.constant 0 : i32
    %dma_wait3A_111 = arith.constant 0 : i32
    %dma_wait3A_112 = tpu.memref_slice %arg3[%dma_wait3A_110, %dma_wait3A_111] : memref<100000x128xf32, #tpu.memory_space<hbm>> -> memref<100000x128xf32, #tpu.memory_space<hbm>>
    tpu.wait_indirect_dma semaphore(%arg7 : memref<!tpu.dma_semaphore, #tpu.memory_space<semaphore_mem>>) src(%dma_wait3A_112 : memref<100000x128xf32, #tpu.memory_space<hbm>>) dst(%dma_wait3A_106 : memref<80x128xf32, #tpu.memory_space<vmem>>)
    %add3A_113 = arith.constant 5760 : i32
    %add3A_114 = arith.addi %mul3A_2, %add3A_113 : i32
    %dma_start3A_115 = arith.constant 0 : i32
    %dma_start3A_116 = arith.constant 0 : i32
    %dma_start3A_117 = arith.constant 0 : i32
    %dma_start3A_118 = tpu.memref_slice %arg6[%dma_start3A_115, %dma_start3A_116, %dma_start3A_117] : memref<8x80x128xf32, #tpu.memory_space<vmem>> -> memref<1x80x128xf32, #tpu.memory_space<vmem>>
    %dma_start3A_119 = tpu.memref_squeeze %dma_start3A_118 : memref<1x80x128xf32, #tpu.memory_space<vmem>> -> memref<80x128xf32, #tpu.memory_space<vmem>>
    %dma_start3A_120 = arith.constant 0 : i32
    %dma_start3A_121 = tpu.memref_slice %arg4[%add3A_114, %dma_start3A_120] : memref<204800x128xf32, #tpu.memory_space<hbm>> -> memref<80x128xf32, #tpu.memory_space<hbm>>
    %dma_start3A_122 = arith.constant 0 : i32
    %dma_start3A_123 = tpu.memref_slice %arg4[%add3A_114, %dma_start3A_122] : memref<204800x128xf32, #tpu.memory_space<hbm>> -> memref<80x128xf32, #tpu.memory_space<hbm>>
    %dma_start3A_124 = arith.constant 0 : i32
    %dma_start3A_125 = arith.constant 0 : i32
    %dma_start3A_126 = tpu.memref_slice %arg6[%dma_start3A_115, %dma_start3A_124, %dma_start3A_125] : memref<8x80x128xf32, #tpu.memory_space<vmem>> -> memref<1x80x128xf32, #tpu.memory_space<vmem>>
    %dma_start3A_127 = tpu.memref_squeeze %dma_start3A_126 : memref<1x80x128xf32, #tpu.memory_space<vmem>> -> memref<80x128xf32, #tpu.memory_space<vmem>>
    tpu.enqueue_dma source(%dma_start3A_127 : memref<80x128xf32, #tpu.memory_space<vmem>>) target(%dma_start3A_123 : memref<80x128xf32, #tpu.memory_space<hbm>>) target_semaphore(%arg15 : memref<!tpu.dma_semaphore, #tpu.memory_space<semaphore_mem>>)
    %add3A_128 = arith.constant 5760 : i32
    %add3A_129 = arith.addi %mul3A_2, %add3A_128 : i32
    %dma_wait3A_130 = arith.constant 0 : i32
    %dma_wait3A_131 = arith.constant 0 : i32
    %dma_wait3A_132 = arith.constant 0 : i32
    %dma_wait3A_133 = tpu.memref_slice %arg6[%dma_wait3A_130, %dma_wait3A_131, %dma_wait3A_132] : memref<8x80x128xf32, #tpu.memory_space<vmem>> -> memref<1x80x128xf32, #tpu.memory_space<vmem>>
    %dma_wait3A_134 = tpu.memref_squeeze %dma_wait3A_133 : memref<1x80x128xf32, #tpu.memory_space<vmem>> -> memref<80x128xf32, #tpu.memory_space<vmem>>
    %dma_wait3A_135 = arith.constant 0 : i32
    %dma_wait3A_136 = tpu.memref_slice %arg4[%add3A_129, %dma_wait3A_135] : memref<204800x128xf32, #tpu.memory_space<hbm>> -> memref<80x128xf32, #tpu.memory_space<hbm>>
    %dma_wait3A_137 = arith.constant 0 : i32
    %dma_wait3A_138 = tpu.memref_slice %arg4[%add3A_129, %dma_wait3A_137] : memref<204800x128xf32, #tpu.memory_space<hbm>> -> memref<80x128xf32, #tpu.memory_space<hbm>>
    %dma_wait3A_139 = arith.constant 0 : i32
    %dma_wait3A_140 = arith.constant 0 : i32
    %dma_wait3A_141 = tpu.memref_slice %arg6[%dma_wait3A_130, %dma_wait3A_139, %dma_wait3A_140] : memref<8x80x128xf32, #tpu.memory_space<vmem>> -> memref<1x80x128xf32, #tpu.memory_space<vmem>>
    %dma_wait3A_142 = tpu.memref_squeeze %dma_wait3A_141 : memref<1x80x128xf32, #tpu.memory_space<vmem>> -> memref<80x128xf32, #tpu.memory_space<vmem>>
    tpu.wait_dma2 semaphore(%arg15 : memref<!tpu.dma_semaphore, #tpu.memory_space<semaphore_mem>>) src(%dma_wait3A_142 : memref<80x128xf32, #tpu.memory_space<vmem>>) dst(%dma_wait3A_138 : memref<80x128xf32, #tpu.memory_space<hbm>>)
    %dma_wait3A_143 = arith.constant 73 : i32
    %dma_wait3A_144 = arith.constant 1 : i32
    %dma_wait3A_145 = arith.constant 0 : i32
    %dma_wait3A_146 = arith.constant 0 : i32
    %dma_wait3A_147 = tpu.memref_slice %arg6[%dma_wait3A_144, %dma_wait3A_145, %dma_wait3A_146] : memref<8x80x128xf32, #tpu.memory_space<vmem>> -> memref<1x80x128xf32, #tpu.memory_space<vmem>>
    %dma_wait3A_148 = tpu.memref_squeeze %dma_wait3A_147 : memref<1x80x128xf32, #tpu.memory_space<vmem>> -> memref<80x128xf32, #tpu.memory_space<vmem>>
    %dma_wait3A_149 = arith.constant 0 : i32
    %dma_wait3A_150 = tpu.memref_slice %arg5[%dma_wait3A_143, %dma_wait3A_149] : memref<80x80xi32, #tpu.memory_space<vmem>> -> memref<1x80xi32, #tpu.memory_space<vmem>>
    %dma_wait3A_151 = tpu.memref_squeeze %dma_wait3A_150 : memref<1x80xi32, #tpu.memory_space<vmem>> -> memref<80xi32, #tpu.memory_space<vmem>>
    %dma_wait3A_152 = arith.constant 0 : i32
    %dma_wait3A_153 = arith.constant 0 : i32
    %dma_wait3A_154 = tpu.memref_slice %arg3[%dma_wait3A_152, %dma_wait3A_153] : memref<100000x128xf32, #tpu.memory_space<hbm>> -> memref<100000x128xf32, #tpu.memory_space<hbm>>
    tpu.wait_indirect_dma semaphore(%arg8 : memref<!tpu.dma_semaphore, #tpu.memory_space<semaphore_mem>>) src(%dma_wait3A_154 : memref<100000x128xf32, #tpu.memory_space<hbm>>) dst(%dma_wait3A_148 : memref<80x128xf32, #tpu.memory_space<vmem>>)
    %add3A_155 = arith.constant 5840 : i32
    %add3A_156 = arith.addi %mul3A_2, %add3A_155 : i32
    %dma_start3A_157 = arith.constant 1 : i32
    %dma_start3A_158 = arith.constant 0 : i32
    %dma_start3A_159 = arith.constant 0 : i32
    %dma_start3A_160 = tpu.memref_slice %arg6[%dma_start3A_157, %dma_start3A_158, %dma_start3A_159] : memref<8x80x128xf32, #tpu.memory_space<vmem>> -> memref<1x80x128xf32, #tpu.memory_space<vmem>>
    %dma_start3A_161 = tpu.memref_squeeze %dma_start3A_160 : memref<1x80x128xf32, #tpu.memory_space<vmem>> -> memref<80x128xf32, #tpu.memory_space<vmem>>
    %dma_start3A_162 = arith.constant 0 : i32
    %dma_start3A_163 = tpu.memref_slice %arg4[%add3A_156, %dma_start3A_162] : memref<204800x128xf32, #tpu.memory_space<hbm>> -> memref<80x128xf32, #tpu.memory_space<hbm>>
    %dma_start3A_164 = arith.constant 0 : i32
    %dma_start3A_165 = tpu.memref_slice %arg4[%add3A_156, %dma_start3A_164] : memref<204800x128xf32, #tpu.memory_space<hbm>> -> memref<80x128xf32, #tpu.memory_space<hbm>>
    %dma_start3A_166 = arith.constant 0 : i32
    %dma_start3A_167 = arith.constant 0 : i32
    %dma_start3A_168 = tpu.memref_slice %arg6[%dma_start3A_157, %dma_start3A_166, %dma_start3A_167] : memref<8x80x128xf32, #tpu.memory_space<vmem>> -> memref<1x80x128xf32, #tpu.memory_space<vmem>>
    %dma_start3A_169 = tpu.memref_squeeze %dma_start3A_168 : memref<1x80x128xf32, #tpu.memory_space<vmem>> -> memref<80x128xf32, #tpu.memory_space<vmem>>
    tpu.enqueue_dma source(%dma_start3A_169 : memref<80x128xf32, #tpu.memory_space<vmem>>) target(%dma_start3A_165 : memref<80x128xf32, #tpu.memory_space<hbm>>) target_semaphore(%arg16 : memref<!tpu.dma_semaphore, #tpu.memory_space<semaphore_mem>>)
    %add3A_170 = arith.constant 5840 : i32
    %add3A_171 = arith.addi %mul3A_2, %add3A_170 : i32
    %dma_wait3A_172 = arith.constant 1 : i32
    %dma_wait3A_173 = arith.constant 0 : i32
    %dma_wait3A_174 = arith.constant 0 : i32
    %dma_wait3A_175 = tpu.memref_slice %arg6[%dma_wait3A_172, %dma_wait3A_173, %dma_wait3A_174] : memref<8x80x128xf32, #tpu.memory_space<vmem>> -> memref<1x80x128xf32, #tpu.memory_space<vmem>>
    %dma_wait3A_176 = tpu.memref_squeeze %dma_wait3A_175 : memref<1x80x128xf32, #tpu.memory_space<vmem>> -> memref<80x128xf32, #tpu.memory_space<vmem>>
    %dma_wait3A_177 = arith.constant 0 : i32
    %dma_wait3A_178 = tpu.memref_slice %arg4[%add3A_171, %dma_wait3A_177] : memref<204800x128xf32, #tpu.memory_space<hbm>> -> memref<80x128xf32, #tpu.memory_space<hbm>>
    %dma_wait3A_179 = arith.constant 0 : i32
    %dma_wait3A_180 = tpu.memref_slice %arg4[%add3A_171, %dma_wait3A_179] : memref<204800x128xf32, #tpu.memory_space<hbm>> -> memref<80x128xf32, #tpu.memory_space<hbm>>
    %dma_wait3A_181 = arith.constant 0 : i32
    %dma_wait3A_182 = arith.constant 0 : i32
    %dma_wait3A_183 = tpu.memref_slice %arg6[%dma_wait3A_172, %dma_wait3A_181, %dma_wait3A_182] : memref<8x80x128xf32, #tpu.memory_space<vmem>> -> memref<1x80x128xf32, #tpu.memory_space<vmem>>
    %dma_wait3A_184 = tpu.memref_squeeze %dma_wait3A_183 : memref<1x80x128xf32, #tpu.memory_space<vmem>> -> memref<80x128xf32, #tpu.memory_space<vmem>>
    tpu.wait_dma2 semaphore(%arg16 : memref<!tpu.dma_semaphore, #tpu.memory_space<semaphore_mem>>) src(%dma_wait3A_184 : memref<80x128xf32, #tpu.memory_space<vmem>>) dst(%dma_wait3A_180 : memref<80x128xf32, #tpu.memory_space<hbm>>)
    %dma_wait3A_185 = arith.constant 74 : i32
    %dma_wait3A_186 = arith.constant 2 : i32
    %dma_wait3A_187 = arith.constant 0 : i32
    %dma_wait3A_188 = arith.constant 0 : i32
    %dma_wait3A_189 = tpu.memref_slice %arg6[%dma_wait3A_186, %dma_wait3A_187, %dma_wait3A_188] : memref<8x80x128xf32, #tpu.memory_space<vmem>> -> memref<1x80x128xf32, #tpu.memory_space<vmem>>
    %dma_wait3A_190 = tpu.memref_squeeze %dma_wait3A_189 : memref<1x80x128xf32, #tpu.memory_space<vmem>> -> memref<80x128xf32, #tpu.memory_space<vmem>>
    %dma_wait3A_191 = arith.constant 0 : i32
    %dma_wait3A_192 = tpu.memref_slice %arg5[%dma_wait3A_185, %dma_wait3A_191] : memref<80x80xi32, #tpu.memory_space<vmem>> -> memref<1x80xi32, #tpu.memory_space<vmem>>
    %dma_wait3A_193 = tpu.memref_squeeze %dma_wait3A_192 : memref<1x80xi32, #tpu.memory_space<vmem>> -> memref<80xi32, #tpu.memory_space<vmem>>
    %dma_wait3A_194 = arith.constant 0 : i32
    %dma_wait3A_195 = arith.constant 0 : i32
    %dma_wait3A_196 = tpu.memref_slice %arg3[%dma_wait3A_194, %dma_wait3A_195] : memref<100000x128xf32, #tpu.memory_space<hbm>> -> memref<100000x128xf32, #tpu.memory_space<hbm>>
    tpu.wait_indirect_dma semaphore(%arg9 : memref<!tpu.dma_semaphore, #tpu.memory_space<semaphore_mem>>) src(%dma_wait3A_196 : memref<100000x128xf32, #tpu.memory_space<hbm>>) dst(%dma_wait3A_190 : memref<80x128xf32, #tpu.memory_space<vmem>>)
    %add3A_197 = arith.constant 5920 : i32
    %add3A_198 = arith.addi %mul3A_2, %add3A_197 : i32
    %dma_start3A_199 = arith.constant 2 : i32
    %dma_start3A_200 = arith.constant 0 : i32
    %dma_start3A_201 = arith.constant 0 : i32
    %dma_start3A_202 = tpu.memref_slice %arg6[%dma_start3A_199, %dma_start3A_200, %dma_start3A_201] : memref<8x80x128xf32, #tpu.memory_space<vmem>> -> memref<1x80x128xf32, #tpu.memory_space<vmem>>
    %dma_start3A_203 = tpu.memref_squeeze %dma_start3A_202 : memref<1x80x128xf32, #tpu.memory_space<vmem>> -> memref<80x128xf32, #tpu.memory_space<vmem>>
    %dma_start3A_204 = arith.constant 0 : i32
    %dma_start3A_205 = tpu.memref_slice %arg4[%add3A_198, %dma_start3A_204] : memref<204800x128xf32, #tpu.memory_space<hbm>> -> memref<80x128xf32, #tpu.memory_space<hbm>>
    %dma_start3A_206 = arith.constant 0 : i32
    %dma_start3A_207 = tpu.memref_slice %arg4[%add3A_198, %dma_start3A_206] : memref<204800x128xf32, #tpu.memory_space<hbm>> -> memref<80x128xf32, #tpu.memory_space<hbm>>
    %dma_start3A_208 = arith.constant 0 : i32
    %dma_start3A_209 = arith.constant 0 : i32
    %dma_start3A_210 = tpu.memref_slice %arg6[%dma_start3A_199, %dma_start3A_208, %dma_start3A_209] : memref<8x80x128xf32, #tpu.memory_space<vmem>> -> memref<1x80x128xf32, #tpu.memory_space<vmem>>
    %dma_start3A_211 = tpu.memref_squeeze %dma_start3A_210 : memref<1x80x128xf32, #tpu.memory_space<vmem>> -> memref<80x128xf32, #tpu.memory_space<vmem>>
    tpu.enqueue_dma source(%dma_start3A_211 : memref<80x128xf32, #tpu.memory_space<vmem>>) target(%dma_start3A_207 : memref<80x128xf32, #tpu.memory_space<hbm>>) target_semaphore(%arg17 : memref<!tpu.dma_semaphore, #tpu.memory_space<semaphore_mem>>)
    %add3A_212 = arith.constant 5920 : i32
    %add3A_213 = arith.addi %mul3A_2, %add3A_212 : i32
    %dma_wait3A_214 = arith.constant 2 : i32
    %dma_wait3A_215 = arith.constant 0 : i32
    %dma_wait3A_216 = arith.constant 0 : i32
    %dma_wait3A_217 = tpu.memref_slice %arg6[%dma_wait3A_214, %dma_wait3A_215, %dma_wait3A_216] : memref<8x80x128xf32, #tpu.memory_space<vmem>> -> memref<1x80x128xf32, #tpu.memory_space<vmem>>
    %dma_wait3A_218 = tpu.memref_squeeze %dma_wait3A_217 : memref<1x80x128xf32, #tpu.memory_space<vmem>> -> memref<80x128xf32, #tpu.memory_space<vmem>>
    %dma_wait3A_219 = arith.constant 0 : i32
    %dma_wait3A_220 = tpu.memref_slice %arg4[%add3A_213, %dma_wait3A_219] : memref<204800x128xf32, #tpu.memory_space<hbm>> -> memref<80x128xf32, #tpu.memory_space<hbm>>
    %dma_wait3A_221 = arith.constant 0 : i32
    %dma_wait3A_222 = tpu.memref_slice %arg4[%add3A_213, %dma_wait3A_221] : memref<204800x128xf32, #tpu.memory_space<hbm>> -> memref<80x128xf32, #tpu.memory_space<hbm>>
    %dma_wait3A_223 = arith.constant 0 : i32
    %dma_wait3A_224 = arith.constant 0 : i32
    %dma_wait3A_225 = tpu.memref_slice %arg6[%dma_wait3A_214, %dma_wait3A_223, %dma_wait3A_224] : memref<8x80x128xf32, #tpu.memory_space<vmem>> -> memref<1x80x128xf32, #tpu.memory_space<vmem>>
    %dma_wait3A_226 = tpu.memref_squeeze %dma_wait3A_225 : memref<1x80x128xf32, #tpu.memory_space<vmem>> -> memref<80x128xf32, #tpu.memory_space<vmem>>
    tpu.wait_dma2 semaphore(%arg17 : memref<!tpu.dma_semaphore, #tpu.memory_space<semaphore_mem>>) src(%dma_wait3A_226 : memref<80x128xf32, #tpu.memory_space<vmem>>) dst(%dma_wait3A_222 : memref<80x128xf32, #tpu.memory_space<hbm>>)
    %dma_wait3A_227 = arith.constant 75 : i32
    %dma_wait3A_228 = arith.constant 3 : i32
    %dma_wait3A_229 = arith.constant 0 : i32
    %dma_wait3A_230 = arith.constant 0 : i32
    %dma_wait3A_231 = tpu.memref_slice %arg6[%dma_wait3A_228, %dma_wait3A_229, %dma_wait3A_230] : memref<8x80x128xf32, #tpu.memory_space<vmem>> -> memref<1x80x128xf32, #tpu.memory_space<vmem>>
    %dma_wait3A_232 = tpu.memref_squeeze %dma_wait3A_231 : memref<1x80x128xf32, #tpu.memory_space<vmem>> -> memref<80x128xf32, #tpu.memory_space<vmem>>
    %dma_wait3A_233 = arith.constant 0 : i32
    %dma_wait3A_234 = tpu.memref_slice %arg5[%dma_wait3A_227, %dma_wait3A_233] : memref<80x80xi32, #tpu.memory_space<vmem>> -> memref<1x80xi32, #tpu.memory_space<vmem>>
    %dma_wait3A_235 = tpu.memref_squeeze %dma_wait3A_234 : memref<1x80xi32, #tpu.memory_space<vmem>> -> memref<80xi32, #tpu.memory_space<vmem>>
    %dma_wait3A_236 = arith.constant 0 : i32
    %dma_wait3A_237 = arith.constant 0 : i32
    %dma_wait3A_238 = tpu.memref_slice %arg3[%dma_wait3A_236, %dma_wait3A_237] : memref<100000x128xf32, #tpu.memory_space<hbm>> -> memref<100000x128xf32, #tpu.memory_space<hbm>>
    tpu.wait_indirect_dma semaphore(%arg10 : memref<!tpu.dma_semaphore, #tpu.memory_space<semaphore_mem>>) src(%dma_wait3A_238 : memref<100000x128xf32, #tpu.memory_space<hbm>>) dst(%dma_wait3A_232 : memref<80x128xf32, #tpu.memory_space<vmem>>)
    %add3A_239 = arith.constant 6000 : i32
    %add3A_240 = arith.addi %mul3A_2, %add3A_239 : i32
    %dma_start3A_241 = arith.constant 3 : i32
    %dma_start3A_242 = arith.constant 0 : i32
    %dma_start3A_243 = arith.constant 0 : i32
    %dma_start3A_244 = tpu.memref_slice %arg6[%dma_start3A_241, %dma_start3A_242, %dma_start3A_243] : memref<8x80x128xf32, #tpu.memory_space<vmem>> -> memref<1x80x128xf32, #tpu.memory_space<vmem>>
    %dma_start3A_245 = tpu.memref_squeeze %dma_start3A_244 : memref<1x80x128xf32, #tpu.memory_space<vmem>> -> memref<80x128xf32, #tpu.memory_space<vmem>>
    %dma_start3A_246 = arith.constant 0 : i32
    %dma_start3A_247 = tpu.memref_slice %arg4[%add3A_240, %dma_start3A_246] : memref<204800x128xf32, #tpu.memory_space<hbm>> -> memref<80x128xf32, #tpu.memory_space<hbm>>
    %dma_start3A_248 = arith.constant 0 : i32
    %dma_start3A_249 = tpu.memref_slice %arg4[%add3A_240, %dma_start3A_248] : memref<204800x128xf32, #tpu.memory_space<hbm>> -> memref<80x128xf32, #tpu.memory_space<hbm>>
    %dma_start3A_250 = arith.constant 0 : i32
    %dma_start3A_251 = arith.constant 0 : i32
    %dma_start3A_252 = tpu.memref_slice %arg6[%dma_start3A_241, %dma_start3A_250, %dma_start3A_251] : memref<8x80x128xf32, #tpu.memory_space<vmem>> -> memref<1x80x128xf32, #tpu.memory_space<vmem>>
    %dma_start3A_253 = tpu.memref_squeeze %dma_start3A_252 : memref<1x80x128xf32, #tpu.memory_space<vmem>> -> memref<80x128xf32, #tpu.memory_space<vmem>>
    tpu.enqueue_dma source(%dma_start3A_253 : memref<80x128xf32, #tpu.memory_space<vmem>>) target(%dma_start3A_249 : memref<80x128xf32, #tpu.memory_space<hbm>>) target_semaphore(%arg18 : memref<!tpu.dma_semaphore, #tpu.memory_space<semaphore_mem>>)
    %add3A_254 = arith.constant 6000 : i32
    %add3A_255 = arith.addi %mul3A_2, %add3A_254 : i32
    %dma_wait3A_256 = arith.constant 3 : i32
    %dma_wait3A_257 = arith.constant 0 : i32
    %dma_wait3A_258 = arith.constant 0 : i32
    %dma_wait3A_259 = tpu.memref_slice %arg6[%dma_wait3A_256, %dma_wait3A_257, %dma_wait3A_258] : memref<8x80x128xf32, #tpu.memory_space<vmem>> -> memref<1x80x128xf32, #tpu.memory_space<vmem>>
    %dma_wait3A_260 = tpu.memref_squeeze %dma_wait3A_259 : memref<1x80x128xf32, #tpu.memory_space<vmem>> -> memref<80x128xf32, #tpu.memory_space<vmem>>
    %dma_wait3A_261 = arith.constant 0 : i32
    %dma_wait3A_262 = tpu.memref_slice %arg4[%add3A_255, %dma_wait3A_261] : memref<204800x128xf32, #tpu.memory_space<hbm>> -> memref<80x128xf32, #tpu.memory_space<hbm>>
    %dma_wait3A_263 = arith.constant 0 : i32
    %dma_wait3A_264 = tpu.memref_slice %arg4[%add3A_255, %dma_wait3A_263] : memref<204800x128xf32, #tpu.memory_space<hbm>> -> memref<80x128xf32, #tpu.memory_space<hbm>>
    %dma_wait3A_265 = arith.constant 0 : i32
    %dma_wait3A_266 = arith.constant 0 : i32
    %dma_wait3A_267 = tpu.memref_slice %arg6[%dma_wait3A_256, %dma_wait3A_265, %dma_wait3A_266] : memref<8x80x128xf32, #tpu.memory_space<vmem>> -> memref<1x80x128xf32, #tpu.memory_space<vmem>>
    %dma_wait3A_268 = tpu.memref_squeeze %dma_wait3A_267 : memref<1x80x128xf32, #tpu.memory_space<vmem>> -> memref<80x128xf32, #tpu.memory_space<vmem>>
    tpu.wait_dma2 semaphore(%arg18 : memref<!tpu.dma_semaphore, #tpu.memory_space<semaphore_mem>>) src(%dma_wait3A_268 : memref<80x128xf32, #tpu.memory_space<vmem>>) dst(%dma_wait3A_264 : memref<80x128xf32, #tpu.memory_space<hbm>>)
    %dma_wait3A_269 = arith.constant 76 : i32
    %dma_wait3A_270 = arith.constant 4 : i32
    %dma_wait3A_271 = arith.constant 0 : i32
    %dma_wait3A_272 = arith.constant 0 : i32
    %dma_wait3A_273 = tpu.memref_slice %arg6[%dma_wait3A_270, %dma_wait3A_271, %dma_wait3A_272] : memref<8x80x128xf32, #tpu.memory_space<vmem>> -> memref<1x80x128xf32, #tpu.memory_space<vmem>>
    %dma_wait3A_274 = tpu.memref_squeeze %dma_wait3A_273 : memref<1x80x128xf32, #tpu.memory_space<vmem>> -> memref<80x128xf32, #tpu.memory_space<vmem>>
    %dma_wait3A_275 = arith.constant 0 : i32
    %dma_wait3A_276 = tpu.memref_slice %arg5[%dma_wait3A_269, %dma_wait3A_275] : memref<80x80xi32, #tpu.memory_space<vmem>> -> memref<1x80xi32, #tpu.memory_space<vmem>>
    %dma_wait3A_277 = tpu.memref_squeeze %dma_wait3A_276 : memref<1x80xi32, #tpu.memory_space<vmem>> -> memref<80xi32, #tpu.memory_space<vmem>>
    %dma_wait3A_278 = arith.constant 0 : i32
    %dma_wait3A_279 = arith.constant 0 : i32
    %dma_wait3A_280 = tpu.memref_slice %arg3[%dma_wait3A_278, %dma_wait3A_279] : memref<100000x128xf32, #tpu.memory_space<hbm>> -> memref<100000x128xf32, #tpu.memory_space<hbm>>
    tpu.wait_indirect_dma semaphore(%arg11 : memref<!tpu.dma_semaphore, #tpu.memory_space<semaphore_mem>>) src(%dma_wait3A_280 : memref<100000x128xf32, #tpu.memory_space<hbm>>) dst(%dma_wait3A_274 : memref<80x128xf32, #tpu.memory_space<vmem>>)
    %add3A_281 = arith.constant 6080 : i32
    %add3A_282 = arith.addi %mul3A_2, %add3A_281 : i32
    %dma_start3A_283 = arith.constant 4 : i32
    %dma_start3A_284 = arith.constant 0 : i32
    %dma_start3A_285 = arith.constant 0 : i32
    %dma_start3A_286 = tpu.memref_slice %arg6[%dma_start3A_283, %dma_start3A_284, %dma_start3A_285] : memref<8x80x128xf32, #tpu.memory_space<vmem>> -> memref<1x80x128xf32, #tpu.memory_space<vmem>>
    %dma_start3A_287 = tpu.memref_squeeze %dma_start3A_286 : memref<1x80x128xf32, #tpu.memory_space<vmem>> -> memref<80x128xf32, #tpu.memory_space<vmem>>
    %dma_start3A_288 = arith.constant 0 : i32
    %dma_start3A_289 = tpu.memref_slice %arg4[%add3A_282, %dma_start3A_288] : memref<204800x128xf32, #tpu.memory_space<hbm>> -> memref<80x128xf32, #tpu.memory_space<hbm>>
    %dma_start3A_290 = arith.constant 0 : i32
    %dma_start3A_291 = tpu.memref_slice %arg4[%add3A_282, %dma_start3A_290] : memref<204800x128xf32, #tpu.memory_space<hbm>> -> memref<80x128xf32, #tpu.memory_space<hbm>>
    %dma_start3A_292 = arith.constant 0 : i32
    %dma_start3A_293 = arith.constant 0 : i32
    %dma_start3A_294 = tpu.memref_slice %arg6[%dma_start3A_283, %dma_start3A_292, %dma_start3A_293] : memref<8x80x128xf32, #tpu.memory_space<vmem>> -> memref<1x80x128xf32, #tpu.memory_space<vmem>>
    %dma_start3A_295 = tpu.memref_squeeze %dma_start3A_294 : memref<1x80x128xf32, #tpu.memory_space<vmem>> -> memref<80x128xf32, #tpu.memory_space<vmem>>
    tpu.enqueue_dma source(%dma_start3A_295 : memref<80x128xf32, #tpu.memory_space<vmem>>) target(%dma_start3A_291 : memref<80x128xf32, #tpu.memory_space<hbm>>) target_semaphore(%arg19 : memref<!tpu.dma_semaphore, #tpu.memory_space<semaphore_mem>>)
    %add3A_296 = arith.constant 6080 : i32
    %add3A_297 = arith.addi %mul3A_2, %add3A_296 : i32
    %dma_wait3A_298 = arith.constant 4 : i32
    %dma_wait3A_299 = arith.constant 0 : i32
    %dma_wait3A_300 = arith.constant 0 : i32
    %dma_wait3A_301 = tpu.memref_slice %arg6[%dma_wait3A_298, %dma_wait3A_299, %dma_wait3A_300] : memref<8x80x128xf32, #tpu.memory_space<vmem>> -> memref<1x80x128xf32, #tpu.memory_space<vmem>>
    %dma_wait3A_302 = tpu.memref_squeeze %dma_wait3A_301 : memref<1x80x128xf32, #tpu.memory_space<vmem>> -> memref<80x128xf32, #tpu.memory_space<vmem>>
    %dma_wait3A_303 = arith.constant 0 : i32
    %dma_wait3A_304 = tpu.memref_slice %arg4[%add3A_297, %dma_wait3A_303] : memref<204800x128xf32, #tpu.memory_space<hbm>> -> memref<80x128xf32, #tpu.memory_space<hbm>>
    %dma_wait3A_305 = arith.constant 0 : i32
    %dma_wait3A_306 = tpu.memref_slice %arg4[%add3A_297, %dma_wait3A_305] : memref<204800x128xf32, #tpu.memory_space<hbm>> -> memref<80x128xf32, #tpu.memory_space<hbm>>
    %dma_wait3A_307 = arith.constant 0 : i32
    %dma_wait3A_308 = arith.constant 0 : i32
    %dma_wait3A_309 = tpu.memref_slice %arg6[%dma_wait3A_298, %dma_wait3A_307, %dma_wait3A_308] : memref<8x80x128xf32, #tpu.memory_space<vmem>> -> memref<1x80x128xf32, #tpu.memory_space<vmem>>
    %dma_wait3A_310 = tpu.memref_squeeze %dma_wait3A_309 : memref<1x80x128xf32, #tpu.memory_space<vmem>> -> memref<80x128xf32, #tpu.memory_space<vmem>>
    tpu.wait_dma2 semaphore(%arg19 : memref<!tpu.dma_semaphore, #tpu.memory_space<semaphore_mem>>) src(%dma_wait3A_310 : memref<80x128xf32, #tpu.memory_space<vmem>>) dst(%dma_wait3A_306 : memref<80x128xf32, #tpu.memory_space<hbm>>)
    %dma_wait3A_311 = arith.constant 77 : i32
    %dma_wait3A_312 = arith.constant 5 : i32
    %dma_wait3A_313 = arith.constant 0 : i32
    %dma_wait3A_314 = arith.constant 0 : i32
    %dma_wait3A_315 = tpu.memref_slice %arg6[%dma_wait3A_312, %dma_wait3A_313, %dma_wait3A_314] : memref<8x80x128xf32, #tpu.memory_space<vmem>> -> memref<1x80x128xf32, #tpu.memory_space<vmem>>
    %dma_wait3A_316 = tpu.memref_squeeze %dma_wait3A_315 : memref<1x80x128xf32, #tpu.memory_space<vmem>> -> memref<80x128xf32, #tpu.memory_space<vmem>>
    %dma_wait3A_317 = arith.constant 0 : i32
    %dma_wait3A_318 = tpu.memref_slice %arg5[%dma_wait3A_311, %dma_wait3A_317] : memref<80x80xi32, #tpu.memory_space<vmem>> -> memref<1x80xi32, #tpu.memory_space<vmem>>
    %dma_wait3A_319 = tpu.memref_squeeze %dma_wait3A_318 : memref<1x80xi32, #tpu.memory_space<vmem>> -> memref<80xi32, #tpu.memory_space<vmem>>
    %dma_wait3A_320 = arith.constant 0 : i32
    %dma_wait3A_321 = arith.constant 0 : i32
    %dma_wait3A_322 = tpu.memref_slice %arg3[%dma_wait3A_320, %dma_wait3A_321] : memref<100000x128xf32, #tpu.memory_space<hbm>> -> memref<100000x128xf32, #tpu.memory_space<hbm>>
    tpu.wait_indirect_dma semaphore(%arg12 : memref<!tpu.dma_semaphore, #tpu.memory_space<semaphore_mem>>) src(%dma_wait3A_322 : memref<100000x128xf32, #tpu.memory_space<hbm>>) dst(%dma_wait3A_316 : memref<80x128xf32, #tpu.memory_space<vmem>>)
    %add3A_323 = arith.constant 6160 : i32
    %add3A_324 = arith.addi %mul3A_2, %add3A_323 : i32
    %dma_start3A_325 = arith.constant 5 : i32
    %dma_start3A_326 = arith.constant 0 : i32
    %dma_start3A_327 = arith.constant 0 : i32
    %dma_start3A_328 = tpu.memref_slice %arg6[%dma_start3A_325, %dma_start3A_326, %dma_start3A_327] : memref<8x80x128xf32, #tpu.memory_space<vmem>> -> memref<1x80x128xf32, #tpu.memory_space<vmem>>
    %dma_start3A_329 = tpu.memref_squeeze %dma_start3A_328 : memref<1x80x128xf32, #tpu.memory_space<vmem>> -> memref<80x128xf32, #tpu.memory_space<vmem>>
    %dma_start3A_330 = arith.constant 0 : i32
    %dma_start3A_331 = tpu.memref_slice %arg4[%add3A_324, %dma_start3A_330] : memref<204800x128xf32, #tpu.memory_space<hbm>> -> memref<80x128xf32, #tpu.memory_space<hbm>>
    %dma_start3A_332 = arith.constant 0 : i32
    %dma_start3A_333 = tpu.memref_slice %arg4[%add3A_324, %dma_start3A_332] : memref<204800x128xf32, #tpu.memory_space<hbm>> -> memref<80x128xf32, #tpu.memory_space<hbm>>
    %dma_start3A_334 = arith.constant 0 : i32
    %dma_start3A_335 = arith.constant 0 : i32
    %dma_start3A_336 = tpu.memref_slice %arg6[%dma_start3A_325, %dma_start3A_334, %dma_start3A_335] : memref<8x80x128xf32, #tpu.memory_space<vmem>> -> memref<1x80x128xf32, #tpu.memory_space<vmem>>
    %dma_start3A_337 = tpu.memref_squeeze %dma_start3A_336 : memref<1x80x128xf32, #tpu.memory_space<vmem>> -> memref<80x128xf32, #tpu.memory_space<vmem>>
    tpu.enqueue_dma source(%dma_start3A_337 : memref<80x128xf32, #tpu.memory_space<vmem>>) target(%dma_start3A_333 : memref<80x128xf32, #tpu.memory_space<hbm>>) target_semaphore(%arg20 : memref<!tpu.dma_semaphore, #tpu.memory_space<semaphore_mem>>)
    %add3A_338 = arith.constant 6160 : i32
    %add3A_339 = arith.addi %mul3A_2, %add3A_338 : i32
    %dma_wait3A_340 = arith.constant 5 : i32
    %dma_wait3A_341 = arith.constant 0 : i32
    %dma_wait3A_342 = arith.constant 0 : i32
    %dma_wait3A_343 = tpu.memref_slice %arg6[%dma_wait3A_340, %dma_wait3A_341, %dma_wait3A_342] : memref<8x80x128xf32, #tpu.memory_space<vmem>> -> memref<1x80x128xf32, #tpu.memory_space<vmem>>
    %dma_wait3A_344 = tpu.memref_squeeze %dma_wait3A_343 : memref<1x80x128xf32, #tpu.memory_space<vmem>> -> memref<80x128xf32, #tpu.memory_space<vmem>>
    %dma_wait3A_345 = arith.constant 0 : i32
    %dma_wait3A_346 = tpu.memref_slice %arg4[%add3A_339, %dma_wait3A_345] : memref<204800x128xf32, #tpu.memory_space<hbm>> -> memref<80x128xf32, #tpu.memory_space<hbm>>
    %dma_wait3A_347 = arith.constant 0 : i32
    %dma_wait3A_348 = tpu.memref_slice %arg4[%add3A_339, %dma_wait3A_347] : memref<204800x128xf32, #tpu.memory_space<hbm>> -> memref<80x128xf32, #tpu.memory_space<hbm>>
    %dma_wait3A_349 = arith.constant 0 : i32
    %dma_wait3A_350 = arith.constant 0 : i32
    %dma_wait3A_351 = tpu.memref_slice %arg6[%dma_wait3A_340, %dma_wait3A_349, %dma_wait3A_350] : memref<8x80x128xf32, #tpu.memory_space<vmem>> -> memref<1x80x128xf32, #tpu.memory_space<vmem>>
    %dma_wait3A_352 = tpu.memref_squeeze %dma_wait3A_351 : memref<1x80x128xf32, #tpu.memory_space<vmem>> -> memref<80x128xf32, #tpu.memory_space<vmem>>
    tpu.wait_dma2 semaphore(%arg20 : memref<!tpu.dma_semaphore, #tpu.memory_space<semaphore_mem>>) src(%dma_wait3A_352 : memref<80x128xf32, #tpu.memory_space<vmem>>) dst(%dma_wait3A_348 : memref<80x128xf32, #tpu.memory_space<hbm>>)
    %dma_wait3A_353 = arith.constant 78 : i32
    %dma_wait3A_354 = arith.constant 6 : i32
    %dma_wait3A_355 = arith.constant 0 : i32
    %dma_wait3A_356 = arith.constant 0 : i32
    %dma_wait3A_357 = tpu.memref_slice %arg6[%dma_wait3A_354, %dma_wait3A_355, %dma_wait3A_356] : memref<8x80x128xf32, #tpu.memory_space<vmem>> -> memref<1x80x128xf32, #tpu.memory_space<vmem>>
    %dma_wait3A_358 = tpu.memref_squeeze %dma_wait3A_357 : memref<1x80x128xf32, #tpu.memory_space<vmem>> -> memref<80x128xf32, #tpu.memory_space<vmem>>
    %dma_wait3A_359 = arith.constant 0 : i32
    %dma_wait3A_360 = tpu.memref_slice %arg5[%dma_wait3A_353, %dma_wait3A_359] : memref<80x80xi32, #tpu.memory_space<vmem>> -> memref<1x80xi32, #tpu.memory_space<vmem>>
    %dma_wait3A_361 = tpu.memref_squeeze %dma_wait3A_360 : memref<1x80xi32, #tpu.memory_space<vmem>> -> memref<80xi32, #tpu.memory_space<vmem>>
    %dma_wait3A_362 = arith.constant 0 : i32
    %dma_wait3A_363 = arith.constant 0 : i32
    %dma_wait3A_364 = tpu.memref_slice %arg3[%dma_wait3A_362, %dma_wait3A_363] : memref<100000x128xf32, #tpu.memory_space<hbm>> -> memref<100000x128xf32, #tpu.memory_space<hbm>>
    tpu.wait_indirect_dma semaphore(%arg13 : memref<!tpu.dma_semaphore, #tpu.memory_space<semaphore_mem>>) src(%dma_wait3A_364 : memref<100000x128xf32, #tpu.memory_space<hbm>>) dst(%dma_wait3A_358 : memref<80x128xf32, #tpu.memory_space<vmem>>)
    %add3A_365 = arith.constant 6240 : i32
    %add3A_366 = arith.addi %mul3A_2, %add3A_365 : i32
    %dma_start3A_367 = arith.constant 6 : i32
    %dma_start3A_368 = arith.constant 0 : i32
    %dma_start3A_369 = arith.constant 0 : i32
    %dma_start3A_370 = tpu.memref_slice %arg6[%dma_start3A_367, %dma_start3A_368, %dma_start3A_369] : memref<8x80x128xf32, #tpu.memory_space<vmem>> -> memref<1x80x128xf32, #tpu.memory_space<vmem>>
    %dma_start3A_371 = tpu.memref_squeeze %dma_start3A_370 : memref<1x80x128xf32, #tpu.memory_space<vmem>> -> memref<80x128xf32, #tpu.memory_space<vmem>>
    %dma_start3A_372 = arith.constant 0 : i32
    %dma_start3A_373 = tpu.memref_slice %arg4[%add3A_366, %dma_start3A_372] : memref<204800x128xf32, #tpu.memory_space<hbm>> -> memref<80x128xf32, #tpu.memory_space<hbm>>
    %dma_start3A_374 = arith.constant 0 : i32
    %dma_start3A_375 = tpu.memref_slice %arg4[%add3A_366, %dma_start3A_374] : memref<204800x128xf32, #tpu.memory_space<hbm>> -> memref<80x128xf32, #tpu.memory_space<hbm>>
    %dma_start3A_376 = arith.constant 0 : i32
    %dma_start3A_377 = arith.constant 0 : i32
    %dma_start3A_378 = tpu.memref_slice %arg6[%dma_start3A_367, %dma_start3A_376, %dma_start3A_377] : memref<8x80x128xf32, #tpu.memory_space<vmem>> -> memref<1x80x128xf32, #tpu.memory_space<vmem>>
    %dma_start3A_379 = tpu.memref_squeeze %dma_start3A_378 : memref<1x80x128xf32, #tpu.memory_space<vmem>> -> memref<80x128xf32, #tpu.memory_space<vmem>>
    tpu.enqueue_dma source(%dma_start3A_379 : memref<80x128xf32, #tpu.memory_space<vmem>>) target(%dma_start3A_375 : memref<80x128xf32, #tpu.memory_space<hbm>>) target_semaphore(%arg21 : memref<!tpu.dma_semaphore, #tpu.memory_space<semaphore_mem>>)
    %add3A_380 = arith.constant 6240 : i32
    %add3A_381 = arith.addi %mul3A_2, %add3A_380 : i32
    %dma_wait3A_382 = arith.constant 6 : i32
    %dma_wait3A_383 = arith.constant 0 : i32
    %dma_wait3A_384 = arith.constant 0 : i32
    %dma_wait3A_385 = tpu.memref_slice %arg6[%dma_wait3A_382, %dma_wait3A_383, %dma_wait3A_384] : memref<8x80x128xf32, #tpu.memory_space<vmem>> -> memref<1x80x128xf32, #tpu.memory_space<vmem>>
    %dma_wait3A_386 = tpu.memref_squeeze %dma_wait3A_385 : memref<1x80x128xf32, #tpu.memory_space<vmem>> -> memref<80x128xf32, #tpu.memory_space<vmem>>
    %dma_wait3A_387 = arith.constant 0 : i32
    %dma_wait3A_388 = tpu.memref_slice %arg4[%add3A_381, %dma_wait3A_387] : memref<204800x128xf32, #tpu.memory_space<hbm>> -> memref<80x128xf32, #tpu.memory_space<hbm>>
    %dma_wait3A_389 = arith.constant 0 : i32
    %dma_wait3A_390 = tpu.memref_slice %arg4[%add3A_381, %dma_wait3A_389] : memref<204800x128xf32, #tpu.memory_space<hbm>> -> memref<80x128xf32, #tpu.memory_space<hbm>>
    %dma_wait3A_391 = arith.constant 0 : i32
    %dma_wait3A_392 = arith.constant 0 : i32
    %dma_wait3A_393 = tpu.memref_slice %arg6[%dma_wait3A_382, %dma_wait3A_391, %dma_wait3A_392] : memref<8x80x128xf32, #tpu.memory_space<vmem>> -> memref<1x80x128xf32, #tpu.memory_space<vmem>>
    %dma_wait3A_394 = tpu.memref_squeeze %dma_wait3A_393 : memref<1x80x128xf32, #tpu.memory_space<vmem>> -> memref<80x128xf32, #tpu.memory_space<vmem>>
    tpu.wait_dma2 semaphore(%arg21 : memref<!tpu.dma_semaphore, #tpu.memory_space<semaphore_mem>>) src(%dma_wait3A_394 : memref<80x128xf32, #tpu.memory_space<vmem>>) dst(%dma_wait3A_390 : memref<80x128xf32, #tpu.memory_space<hbm>>)
    %dma_wait3A_395 = arith.constant 79 : i32
    %dma_wait3A_396 = arith.constant 7 : i32
    %dma_wait3A_397 = arith.constant 0 : i32
    %dma_wait3A_398 = arith.constant 0 : i32
    %dma_wait3A_399 = tpu.memref_slice %arg6[%dma_wait3A_396, %dma_wait3A_397, %dma_wait3A_398] : memref<8x80x128xf32, #tpu.memory_space<vmem>> -> memref<1x80x128xf32, #tpu.memory_space<vmem>>
    %dma_wait3A_400 = tpu.memref_squeeze %dma_wait3A_399 : memref<1x80x128xf32, #tpu.memory_space<vmem>> -> memref<80x128xf32, #tpu.memory_space<vmem>>
    %dma_wait3A_401 = arith.constant 0 : i32
    %dma_wait3A_402 = tpu.memref_slice %arg5[%dma_wait3A_395, %dma_wait3A_401] : memref<80x80xi32, #tpu.memory_space<vmem>> -> memref<1x80xi32, #tpu.memory_space<vmem>>
    %dma_wait3A_403 = tpu.memref_squeeze %dma_wait3A_402 : memref<1x80xi32, #tpu.memory_space<vmem>> -> memref<80xi32, #tpu.memory_space<vmem>>
    %dma_wait3A_404 = arith.constant 0 : i32
    %dma_wait3A_405 = arith.constant 0 : i32
    %dma_wait3A_406 = tpu.memref_slice %arg3[%dma_wait3A_404, %dma_wait3A_405] : memref<100000x128xf32, #tpu.memory_space<hbm>> -> memref<100000x128xf32, #tpu.memory_space<hbm>>
    tpu.wait_indirect_dma semaphore(%arg14 : memref<!tpu.dma_semaphore, #tpu.memory_space<semaphore_mem>>) src(%dma_wait3A_406 : memref<100000x128xf32, #tpu.memory_space<hbm>>) dst(%dma_wait3A_400 : memref<80x128xf32, #tpu.memory_space<vmem>>)
    %add3A_407 = arith.constant 6320 : i32
    %add3A_408 = arith.addi %mul3A_2, %add3A_407 : i32
    %dma_start3A_409 = arith.constant 7 : i32
    %dma_start3A_410 = arith.constant 0 : i32
    %dma_start3A_411 = arith.constant 0 : i32
    %dma_start3A_412 = tpu.memref_slice %arg6[%dma_start3A_409, %dma_start3A_410, %dma_start3A_411] : memref<8x80x128xf32, #tpu.memory_space<vmem>> -> memref<1x80x128xf32, #tpu.memory_space<vmem>>
    %dma_start3A_413 = tpu.memref_squeeze %dma_start3A_412 : memref<1x80x128xf32, #tpu.memory_space<vmem>> -> memref<80x128xf32, #tpu.memory_space<vmem>>
    %dma_start3A_414 = arith.constant 0 : i32
    %dma_start3A_415 = tpu.memref_slice %arg4[%add3A_408, %dma_start3A_414] : memref<204800x128xf32, #tpu.memory_space<hbm>> -> memref<80x128xf32, #tpu.memory_space<hbm>>
    %dma_start3A_416 = arith.constant 0 : i32
    %dma_start3A_417 = tpu.memref_slice %arg4[%add3A_408, %dma_start3A_416] : memref<204800x128xf32, #tpu.memory_space<hbm>> -> memref<80x128xf32, #tpu.memory_space<hbm>>
    %dma_start3A_418 = arith.constant 0 : i32
    %dma_start3A_419 = arith.constant 0 : i32
    %dma_start3A_420 = tpu.memref_slice %arg6[%dma_start3A_409, %dma_start3A_418, %dma_start3A_419] : memref<8x80x128xf32, #tpu.memory_space<vmem>> -> memref<1x80x128xf32, #tpu.memory_space<vmem>>
    %dma_start3A_421 = tpu.memref_squeeze %dma_start3A_420 : memref<1x80x128xf32, #tpu.memory_space<vmem>> -> memref<80x128xf32, #tpu.memory_space<vmem>>
    tpu.enqueue_dma source(%dma_start3A_421 : memref<80x128xf32, #tpu.memory_space<vmem>>) target(%dma_start3A_417 : memref<80x128xf32, #tpu.memory_space<hbm>>) target_semaphore(%arg22 : memref<!tpu.dma_semaphore, #tpu.memory_space<semaphore_mem>>)
    %add3A_422 = arith.constant 6320 : i32
    %add3A_423 = arith.addi %mul3A_2, %add3A_422 : i32
    %dma_wait3A_424 = arith.constant 7 : i32
    %dma_wait3A_425 = arith.constant 0 : i32
    %dma_wait3A_426 = arith.constant 0 : i32
    %dma_wait3A_427 = tpu.memref_slice %arg6[%dma_wait3A_424, %dma_wait3A_425, %dma_wait3A_426] : memref<8x80x128xf32, #tpu.memory_space<vmem>> -> memref<1x80x128xf32, #tpu.memory_space<vmem>>
    %dma_wait3A_428 = tpu.memref_squeeze %dma_wait3A_427 : memref<1x80x128xf32, #tpu.memory_space<vmem>> -> memref<80x128xf32, #tpu.memory_space<vmem>>
    %dma_wait3A_429 = arith.constant 0 : i32
    %dma_wait3A_430 = tpu.memref_slice %arg4[%add3A_423, %dma_wait3A_429] : memref<204800x128xf32, #tpu.memory_space<hbm>> -> memref<80x128xf32, #tpu.memory_space<hbm>>
    %dma_wait3A_431 = arith.constant 0 : i32
    %dma_wait3A_432 = tpu.memref_slice %arg4[%add3A_423, %dma_wait3A_431] : memref<204800x128xf32, #tpu.memory_space<hbm>> -> memref<80x128xf32, #tpu.memory_space<hbm>>
    %dma_wait3A_433 = arith.constant 0 : i32
    %dma_wait3A_434 = arith.constant 0 : i32
    %dma_wait3A_435 = tpu.memref_slice %arg6[%dma_wait3A_424, %dma_wait3A_433, %dma_wait3A_434] : memref<8x80x128xf32, #tpu.memory_space<vmem>> -> memref<1x80x128xf32, #tpu.memory_space<vmem>>
    %dma_wait3A_436 = tpu.memref_squeeze %dma_wait3A_435 : memref<1x80x128xf32, #tpu.memory_space<vmem>> -> memref<80x128xf32, #tpu.memory_space<vmem>>
    tpu.wait_dma2 semaphore(%arg22 : memref<!tpu.dma_semaphore, #tpu.memory_space<semaphore_mem>>) src(%dma_wait3A_436 : memref<80x128xf32, #tpu.memory_space<vmem>>) dst(%dma_wait3A_432 : memref<80x128xf32, #tpu.memory_space<hbm>>)
    return
  }
}

</mosaic_0001>

<sc_bundles>
// kernel: kernel.3.cloned.1.call-start
scs
__scs_entry_jumppad:
0x0: {  	(pc) =	sbr.rel $0x88, $3  }
0x1: {  	(tag) =	ssettag $0x0;
	lr =	simm.s32 $0x1  }
0x2: {  	[smem:$0x3F9F] =	sst lr;
	_ =	strace $0xD0000000  }
0x3: {  	_ = 	snop  }
0x4: {  	_ = 	snop  }
0x5: {  	_ = 	snop  }
0x6: {  	_ = 	snop  }
0x7: {  	_ = 	snop  }
__scs_overlays_trampoline_lowered:
0x8: {  	[smem:$0x3FAE] =	sst s0  }
0x9: {  	[smem:$0x3FAF] =	sst s1  }
0xa: {  	[smem:$0x3FB0] =	sst s2  }
0xb: {  	[smem:$0x3FB1] =	sst s3  }
0xc: {  	[smem:$0x3FB2] =	sst s4  }
0xd: {  	[smem:$0x3FB3] =	sst s5  }
0xe: {  	[smem:$0x3FB4] =	sst s6  }
0xf: {  	[smem:$0x3FB5] =	sst s7  }
0x10: {  	[smem:$0x3FB6] =	sst s8  }
0x11: {  	[smem:$0x3FB7] =	sst s9;
	s0 =	simm.s32 @!p0 $0x0  }
0x12: {  	s1 =	sld [smem:$0x3F9D];
	s0 =	simm.s32 @p0 $0x1  }
0x13: {  	[smem:$0x3FB8] =	sst s0;
	s0 =	simm.s32 @!p1 $0x0  }
0x14: {  	s2 =	sld [smem:$0x3F9C];
	s0 =	simm.s32 @p1 $0x1  }
0x15: {  	[smem:$0x3FB9] =	sst s0;
	s0 =	simm.s32 @!p2 $0x0  }
0x16: {  	s3 =	sld [smem:$0x3FDB];
	s0 =	simm.s32 @p2 $0x1  }
0x17: {  	s4 =	simm.s32 $0x1BF5;
	[smem:$0x3FBB] =	sst s0  }
0x18: {  	s0 =	sld [smem:$0x3F9E];
	_ =	swait.ge [sflag:s4], $0x0  }
0x19: {  	s7 =	sld [smem:$0x3F9F]  }
0x1a: {  	s8 =	sadd.s32 $0xFFFFE003, lr  }
0x1b: {  	s9 =	sadd.s32 $0xFFFFFEF7, lr;
	s5 =	simm.s32 $0xFFFFFFFF;
	p2 =	slt.u32 s8, $0xFFFFF086  }
0x1c: {  	p1 =	slt.u32 s9, $0xF7A;
	s5 =	simm.s32 @!p2 $0x0  }
0x1d: {  	s5 =	simm.s32 @p1 $0x1;
	p0 =	seq.s32 s7, s2  }
0x1e: {  	s7 =	smul.u32 @!p0 $0xF7A, s2;
	p2 =	seq.s32 @!p0 s5, $0x0  }
0x1f: {  	s9 =	smul.u32 $0xF7A, s1;
	s8 =	simm.s32 @!p0 $0x1BF5;
	p2 =	por !p2, p0  }
0x20: {  	[sflag:s8] =	ssyncset.s32 @!p0 $0xFFFFF086;
	s6 =	sadd.s32 @!p0 s3, s7;
	s7 =	simm.s32 @!p0 $0x108  }
0x21: {  	s3 =	sadd.s32 s3, s9;
	s6 =	sadd.s32 @!p0 $0x88, s6;
	s7 =	simm.s32 @p2 $0x1082  }
0x22: {  	[simem:s7], [sflag:s8] =	dma.local @!p0 [hbm:s6], $0xF7A  }
0x23: {  	s9 =	sor.u32 $0xD0000000, s2;
	s6 =	simm.s32 $0x108;
	_ =	swait.ge @!p0 [sflag:s8], $0x0  }
0x24: {  	s3 =	sadd.s32 $0x88, s3;
	s6 =	simm.s32 @!p1 $0x1082;
	[sflag:s4] =	ssyncset.s32 $0xFFFFF086  }
0x25: {  	[simem:s6], [sflag:s4] =	dma.local [hbm:s3], $0xF7A  }
0x26: {  	[smem:$0x3F9F] =	sst s1;
	(tag) =	ssettag s2;
	_ =	strace s9  }
0x27: {  	s1 =	sld [smem:$0x3FAF]  }
0x28: {  	s2 =	sld [smem:$0x3FB0]  }
0x29: {  	s4 =	sld [smem:$0x3FB2]  }
0x2a: {  	p0 =	seq.s32 s5, $0x0;
	s5 =	sld [smem:$0x3FB3]  }
0x2b: {  	s6 =	sld [smem:$0x3FB4]  }
0x2c: {  	s7 =	sld [smem:$0x3FB5]  }
0x2d: {  	s3 =	simm.s32 $0x108;
	s8 =	sld [smem:$0x3FB6]  }
0x2e: {  	s3 =	simm.s32 @!p0 $0x1082;
	s9 =	sld [smem:$0x3FB7]  }
0x2f: {  	lr =	sadd.s32 s0, s3;
	s0 =	sld [smem:$0x3FAE]  }
0x30: {  	s3 =	sld [smem:$0x3FB1]  }
0x31: {  	[smem:$0x3FBA] =	sst s10  }
0x32: {  	s10 =	sld [smem:$0x3FB8];
	_ =	sdelay $0x3  }
0x33: {  	p0 =	seq.s32 s10, $0x1;
	s10 =	sld [smem:$0x3FBA];
	_ =	sdelay $0x3  }
0x34: {  	[smem:$0x3FBA] =	sst s10  }
0x35: {  	s10 =	sld [smem:$0x3FB9];
	_ =	sdelay $0x3  }
0x36: {  	p1 =	seq.s32 s10, $0x1;
	s10 =	sld [smem:$0x3FBA];
	_ =	sdelay $0x3  }
0x37: {  	[smem:$0x3FBA] =	sst s10  }
0x38: {  	s10 =	sld [smem:$0x3FBB]  }
0x39: {  	_ = 	snop;
	(pc) =	sbr.ind lr, $3  }
0x3a: {  	_ = 	snop  }
0x3b: {  	_ = 	snop  }
0x3c: {  	p2 =	seq.s32 s10, $0x1;
	s10 =	sld [smem:$0x3FBA]  }
0x3d: {  	_ =	shalt  }
0x3e: {  	_ =	shalt  }
0x3f: {  	_ =	shalt  }
0x40: {  	_ =	shalt  }
0x41: {  	_ =	shalt  }
0x42: {  	_ =	shalt  }
0x43: {  	_ =	shalt  }
0x44: {  	_ =	shalt  }
0x45: {  	_ =	shalt  }
0x46: {  	_ =	shalt  }
0x47: {  	_ =	shalt  }
0x48: {  	_ =	shalt  }
0x49: {  	_ =	shalt  }
0x4a: {  	_ =	shalt  }
0x4b: {  	_ =	shalt  }
0x4c: {  	_ =	shalt  }
0x4d: {  	_ =	shalt  }
0x4e: {  	_ =	shalt  }
0x4f: {  	_ =	shalt  }
0x50: {  	_ =	shalt  }
0x51: {  	_ =	shalt  }
0x52: {  	_ =	shalt  }
0x53: {  	_ =	shalt  }
0x54: {  	_ =	shalt  }
0x55: {  	_ =	shalt  }
0x56: {  	_ =	shalt  }
0x57: {  	_ =	shalt  }
0x58: {  	_ =	shalt  }
0x59: {  	_ =	shalt  }
0x5a: {  	_ =	shalt  }
0x5b: {  	_ =	shalt  }
0x5c: {  	_ =	shalt  }
0x5d: {  	_ =	shalt  }
0x5e: {  	_ =	shalt  }
0x5f: {  	_ =	shalt  }
0x60: {  	_ =	shalt  }
0x61: {  	_ =	shalt  }
0x62: {  	_ =	shalt  }
0x63: {  	_ =	shalt  }
0x64: {  	_ =	shalt  }
0x65: {  	_ =	shalt  }
0x66: {  	_ =	shalt  }
0x67: {  	_ =	shalt  }
0x68: {  	_ =	shalt  }
0x69: {  	_ =	shalt  }
0x6a: {  	_ =	shalt  }
0x6b: {  	_ =	shalt  }
0x6c: {  	_ =	shalt  }
0x6d: {  	_ =	shalt  }
0x6e: {  	_ =	shalt  }
0x6f: {  	_ =	shalt  }
0x70: {  	_ =	shalt  }
0x71: {  	_ =	shalt  }
0x72: {  	_ =	shalt  }
0x73: {  	_ =	shalt  }
0x74: {  	_ =	shalt  }
0x75: {  	_ =	shalt  }
0x76: {  	_ =	shalt  }
0x77: {  	_ =	shalt  }
0x78: {  	_ =	shalt  }
0x79: {  	_ =	shalt  }
0x7a: {  	_ =	shalt  }
0x7b: {  	_ =	shalt  }
0x7c: {  	_ =	shalt  }
0x7d: {  	_ =	shalt  }
0x7e: {  	_ =	shalt  }
0x7f: {  	_ =	shalt  }
0x80: {  	_ =	shalt  }
0x81: {  	_ =	shalt  }
0x82: {  	_ =	shalt  }
0x83: {  	_ =	shalt  }
0x84: {  	_ =	shalt  }
0x85: {  	_ =	shalt  }
0x86: {  	_ =	shalt  }
0x87: {  	_ =	shalt  }
.Lfunc_end0:
.L_simem_size_0:
called_computation_lowered:
.L_overlay_start_0:
0x88: {  	s2 =	sld [smem:$0x3FD9]  }
0x89: {  	s3 =	sld [smem:$0x3FFE];
	_ =	sdelay $0x1  }
0x8a: {  	s1 =	srdreg.scid  }
0x8b: {  	s0 =	sand.u32 $0x1, s1  }
0x8c: {  	s17 =	sshll.u32 s0, $0xA;
	s2 =	sadd.s32 s3, s2  }
0x8d: {  	s2 =	sadd.s32 s2, s17  }
0x8e: {  	[smem:$0x3FC6] =	sst s2  }
0x8f: {  	_ = 	snop  }
0x90: {  	s2 =	sld [smem:$0x3FC8]  }
0x91: {  	s18 =	sld [smem:$0x3FD0];
	(tm) =	ssettm $0x1  }
0x92: {  	s4 =	sld [smem:$0x3FFB];
	_ =	sdelay $0x3  }
0x93: {  	_ =	strace s4  }
0x94: {  	s4 =	sld [smem:$0x3FFC];
	_ =	sdelay $0x3  }
0x95: {  	_ =	strace s4  }
0x96: {  	s4 =	sld [smem:$0x3FFD];
	_ =	sdelay $0x3  }
0x97: {  	_ =	strace s4  }
0x98: {  	_ =	strace $0x8FFFFFFF  }
0x99: {  	s19 =	sld [smem:$0x3FDB];
	_ =	sdelay $0x1  }
0x9a: {  	s5 =	simm.s32 $_scs_section_size  }
0x9b: {  	s6 =	simm.s32 $_size__tile_overlayer_lowered;
	s7 =	simm.s32 $_tile_overlayer_lowered  }
0x9c: {  	s22 =	simm.s32 $0x1BFF;
	s21 =	sshll.u32 s7, $0x1;
	s4 =	sadd.s32 s5, s19  }
0x9d: {  	s8 =	simm.s32 $0x0;
	s20 =	sshll.u32 s6, $0x1;
	s6 =	sadd.s32 s21, s4  }
0x9e: {  	[timem:s8], [sflag:s22] =	dma.local [hbm:s6], s20  }
0x9f: {  	_ =	swait.ge [sflag:s22], s20  }
0xa0: {  	s5 =	ssub.s32 $0x0, s20;
	[sflag:s22] =	ssyncset.done $0x0  }
0xa1: {  	[sflag:s22] =	ssyncadd.s32 s5;
	_ =	sdelay $0x1  }
0xa2: {  	s23 =	simm.s32 $0x1B8B  }
0xa3: {  	_ =	swait.ge [sflag:s23], $0x1  }
0xa4: {  	[sflag:s23] =	ssyncset.done $0x0  }
0xa5: {  	s25 =	simm.s32 $0x1B8E;
	s24 =	sld [smem:$0x3FFE];
	[sflag:s23] =	ssyncadd.s32 $0xFFFFFFFF  }
0xa6: {  	s26 =	simm.s32 $execute0_lowered;
	[smem:$0x3FD2] =	sst s25  }
0xa7: {  	s6 =	sshll.u32 s26, $0x1;
	_ =	strace $0x80000046;
	[dreg:$0x1] =	wrdreg $0xFFFFFFFF  }
0xa8: {  	s28 =	simm.s32 $_size_execute0_lowered;
	s4 =	sadd.s32 s4, s6;
	[dreg:$0x0] =	wrdreg $0x0  }
0xa9: {  	s6 =	sshll.u32 s28, $0x1;
	[dreg:$0x2] =	wrdreg s4  }
0xaa: {  	[dreg:$0x3] =	wrdreg s6  }
0xab: {  	[dreg:$0x4] =	wrdreg $0xC0  }
0xac: {  	_ =	task [dreg:s8], $0x5FFFF  }
0xad: {  	[dreg:$0x1] =	wrdreg $0xFFFFFFFF  }
0xae: {  	[dreg:$0x0] =	wrdreg $0x60  }
0xaf: {  	[dreg:$0x2] =	wrdreg s24  }
0xb0: {  	[dreg:$0x3] =	wrdreg s2  }
0xb1: {  	[dreg:$0x4] =	wrdreg s18  }
0xb2: {  	[dreg:$0x5] =	wrdreg $0x9  }
0xb3: {  	_ =	task.clear_ibuf [dreg:s8], $0x6FFFF;
	_ =	strace $0x90000046  }
0xb4: {  	s29 =	simm.s32 $0x9;
	_ =	strace $0x80000048  }
0xb5: {  	_ =	swait.ge [sflag:s29], $0x1  }
0xb6: {  	[sflag:s29] =	ssyncadd.s32 $0xFFFFFFFF  }
0xb7: {  	_ =	strace $0x90000048  }
0xb8: {  	_ =	sfence  }
0xb9: {  	s30 =	sld [smem:$0x0];
	_ =	sdelay $0x2  }
0xba: {  	s31 =	sshll.u32 s1, $0xD;
	s1 =	sshrl.u32 s1, $0x2  }
0xbb: {  	s3 =	sand.u32 $0x4000, s31;
	s1 =	sadd.s32 s1, s30  }
0xbc: {  	s0 =	sor.u32 s3, s0;
	s1 =	sshll.u32 s1, $0x11  }
0xbd: {  	s0 =	sor.u32 s1, s0  }
0xbe: {  	s0 =	sadd.s32 $0x8F2B, s0  }
0xbf: {  	[sflag:s0] =	ssyncadd.remote.s32 $0x1  }
0xc0: {  	_ =	sfence.sel $0xFFFF  }
0xc1: {  	[dreg:$0x0] =	wrdreg $0xFFFFFFFF;
	(pc) =	sbr.abs _section_cstart, $3  }
0xc2: {  	[dreg:$0x1] =	wrdreg $0xFFFFFFFF  }
0xc3: {  	_ =	task.clear_ibuf [dreg:s8], $0x2FFFF;
	_ =	strace $0x9FFFFFFF  }
0xc4: {  	(tm) =	ssettm $0x7FFFFFFF  }
0xc5: {  	_ =	shalt  }
tec
execute0_lowered:
.L_overlay_start_1:
0x0: {  	(tag) =	ssettag $0x1  }
0x1: {  	s0 =	rddreg [dreg:$0x0]  }
0x2: {  	s1 =	srdreg.scid;
	s2 =	rddreg [dreg:$0x1]  }
0x3: {  	s8 =	stileid.u32;
	s4 =	rddreg [dreg:$0x2]  }
0x4: {  	s28 =	simm.s32 $0xF000;
	s30 =	simm.s32 $0x11800;
	s29 =	simm.s32 $0x4  }
0x5: {  	s31 =	simm.s32 $0xC;
	s9 =	simm.s32 $0xF;
	s10 =	simm.s32 $0x8  }
0x6: {  	s11 =	simm.s32 $0x10;
	s1 =	sand.u32 $0x1, s1;
	s3 =	sshll.u32 s8, $0x1  }
0x7: {  	s13 =	simm.s32 $0x0;
	s19 =	smul.u32 $0x32000, s8;
	s5 =	sor.u32 s1, s3  }
0x8: {  	s8 =	simm.s32 $0x7;
	s3 =	simm.s32 $0x0;
	s6 =	smul.u32 $0x500, s5  }
0x9: {  	s7 =	ssub.s32 $0x2, s1;
	[smem:$0x7FF] =	sst s3;
	s5 =	smul.u32 $0xC8000, s5  }
0xa: {  	s1 =	smul.u32 $0x19000, s1;
	s16 =	sshrl.u32 s7, $0x1;
	_ =	strace $0x80000047  }
0xb: {  	s0 =	sadd.s32 s6, s0;
	s5 =	sshrl.u32 s5, $0x3;
	s6 =	ssub.s32 s7, s16  }
0xc: {  	s16 =	simm.s32 $0x50;
	s7 =	simm.s32 $0xE;
	s0 =	sadd.s32 $0x400, s0  }
0xd: {  	s17 =	sadd.s32 s4, s5;
	s26 =	smax.u32 s6, $0x1;
	[dreg:$0x4] =	wrdreg s0  }
0xe: {  	s4 =	sadd.s32 s19, s4;
	s5 =	sadd.s32 $0x16800, s17;
	[dreg:$0xd] =	wrdreg s26  }
0xf: {  	s19 =	simm.s32 $0x5000;
	s18 =	sadd.s32 $0x16D00, s17;
	[dreg:$0x5] =	wrdreg s5  }
0x10: {  	s6 =	simm.s32 $0x6;
	s20 =	sadd.s32 $0x17200, s17;
	[dreg:$0x6] =	wrdreg s18  }
0x11: {  	s21 =	sadd.s32 $0x17700, s17;
	s22 =	sadd.s32 $0x17C00, s17;
	[dreg:$0x7] =	wrdreg s20  }
0x12: {  	s23 =	sadd.s32 $0x18100, s17;
	s24 =	sadd.s32 $0x18600, s17;
	[dreg:$0x8] =	wrdreg s21  }
0x13: {  	s0 =	sadd.s32 $0x18B00, s17;
	s25 =	sadd.s32 s1, s4;
	[dreg:$0x9] =	wrdreg s22  }
0x14: {  	s17 =	simm.s32 $0x2800;
	s1 =	simm.s32 $0x14000;
	[dreg:$0xa] =	wrdreg s23  }
0x15: {  	s26 =	simm.s32 $0xB;
	s4 =	simm.s32 $0x5;
	[dreg:$0xb] =	wrdreg s24  }
0x16: {  	[dreg:$0xc] =	wrdreg s0;
	s0 =	sadd.s32 $0x2300, s25;
	s21 =	simm.s32 $0x7800  }
0x17: {  	s23 =	simm.s32 $0xA000;
	s25 =	simm.s32 $0xC800;
	s18 =	simm.s32 $0x9  }
0x18: {  	s20 =	simm.s32 $0x2;
	s22 =	simm.s32 $0xA;
	s24 =	simm.s32 $0x3  }
0x19: {  	s5 =	simm.s32 $0xD;
	[dreg:$0xe] =	wrdreg s0;
	s0 =	simm.s32 $0x1  }
.LBB2_1:
0x1a: {  	[dreg:$0xf] =	wrdreg s13  }
0x1b: {  	s12 =	rddreg [dreg:$0x4];
	s14 =	simm.s32 $0x11  }
0x1c: {  	[tilespmem:s3], [sflag:$0x11] =	stream.linear.gather [hbm4b:s12+s3], $0x2800, $0x38;
	[tilespmem:$0x16800] =	vst v63  }
0x1d: {  	_ =	swait.ge [sflag:s14], $0x2800  }
0x1e: {  	[sflag:s14] =	ssyncset.done $0x0  }
0x1f: {  	[sflag:s14] =	ssyncadd.s32 $0xFFFFD800  }
0x20: {  	[tilespmem:s17], [sflag:$0x1] =	stream.indirect.gather [hbm4b:s2+s16], $0x80, s3, s16, $0xb8;
	[tilespmem:$0x16800] =	vst v63  }
0x21: {  	s15 =	simm.s32 $0x80  }
0x22: {  	[tilespmem:s19], [sflag:$0x2] =	stream.indirect.gather [hbm4b:s2+s16], $0x80, s15, s16, $0xb8;
	[tilespmem:$0x16800] =	vst v63  }
0x23: {  	s13 =	simm.s32 $0x100  }
0x24: {  	[tilespmem:s21], [sflag:$0x3] =	stream.indirect.gather [hbm4b:s2+s16], $0x80, s13, s16, $0xb8;
	[tilespmem:$0x16800] =	vst v63  }
0x25: {  	s14 =	simm.s32 $0x180  }
0x26: {  	[tilespmem:s23], [sflag:$0x4] =	stream.indirect.gather [hbm4b:s2+s16], $0x80, s14, s16, $0xb8;
	[tilespmem:$0x16800] =	vst v63  }
0x27: {  	s15 =	simm.s32 $0x200  }
0x28: {  	[tilespmem:s25], [sflag:$0x5] =	stream.indirect.gather [hbm4b:s2+s16], $0x80, s15, s16, $0xb8;
	[tilespmem:$0x16800] =	vst v63  }
0x29: {  	s13 =	simm.s32 $0x280  }
0x2a: {  	[tilespmem:s28], [sflag:$0x6] =	stream.indirect.gather [hbm4b:s2+s16], $0x80, s13, s16, $0xb8;
	[tilespmem:$0x16800] =	vst v63  }
0x2b: {  	s14 =	simm.s32 $0x300  }
0x2c: {  	[tilespmem:s30], [sflag:$0x7] =	stream.indirect.gather [hbm4b:s2+s16], $0x80, s14, s16, $0xb8;
	[tilespmem:$0x16800] =	vst v63  }
0x2d: {  	s15 =	simm.s32 $0x380  }
0x2e: {  	[tilespmem:s1], [sflag:$0x8] =	stream.indirect.gather [hbm4b:s2+s16], $0x80, s15, s16, $0xb8;
	[tilespmem:$0x16800] =	vst v63  }
0x2f: {  	_ =	swait.ge [sflag:s0], $0x2800  }
0x30: {  	[sflag:s0] =	ssyncset.done $0x0;
	s14 =	rddreg [dreg:$0xe]  }
0x31: {  	[sflag:s0] =	ssyncadd.s32 $0xFFFFD800;
	s13 =	sadd.s32 $0xFFFFDD00, s14  }
0x32: {  	[hbm4b:s13+s3] =	stream.linear.scatter [tilespmem:s17], [sflag:$0x9], $0x2800, $0x38;
	[tilespmem:$0x16800] =	vst v63  }
0x33: {  	_ =	swait.ge [sflag:s18], $0x2800  }
0x34: {  	[sflag:s18] =	ssyncset.done $0x0  }
0x35: {  	s15 =	simm.s32 $0x400;
	[sflag:s18] =	ssyncadd.s32 $0xFFFFD800  }
0x36: {  	[tilespmem:s17], [sflag:$0x1] =	stream.indirect.gather [hbm4b:s2+s16], $0x80, s15, s16, $0xb8;
	[tilespmem:$0x16800] =	vst v63  }
0x37: {  	_ =	swait.ge [sflag:s20], $0x2800  }
0x38: {  	[sflag:s20] =	ssyncset.done $0x0  }
0x39: {  	s13 =	sadd.s32 $0xFFFFE200, s14;
	[sflag:s20] =	ssyncadd.s32 $0xFFFFD800  }
0x3a: {  	[hbm4b:s13+s3] =	stream.linear.scatter [tilespmem:s19], [sflag:$0xA], $0x2800, $0x38;
	[tilespmem:$0x16800] =	vst v63  }
0x3b: {  	_ =	swait.ge [sflag:s22], $0x2800  }
0x3c: {  	[sflag:s22] =	ssyncset.done $0x0  }
0x3d: {  	s15 =	simm.s32 $0x480;
	[sflag:s22] =	ssyncadd.s32 $0xFFFFD800  }
0x3e: {  	[tilespmem:s19], [sflag:$0x2] =	stream.indirect.gather [hbm4b:s2+s16], $0x80, s15, s16, $0xb8;
	[tilespmem:$0x16800] =	vst v63  }
0x3f: {  	_ =	swait.ge [sflag:s24], $0x2800  }
0x40: {  	[sflag:s24] =	ssyncset.done $0x0  }
0x41: {  	s13 =	sadd.s32 $0xFFFFE700, s14;
	[sflag:s24] =	ssyncadd.s32 $0xFFFFD800  }
0x42: {  	[hbm4b:s13+s3] =	stream.linear.scatter [tilespmem:s21], [sflag:$0xB], $0x2800, $0x38;
	[tilespmem:$0x16800] =	vst v63  }
0x43: {  	_ =	swait.ge [sflag:s26], $0x2800  }
0x44: {  	[sflag:s26] =	ssyncset.done $0x0  }
0x45: {  	s15 =	simm.s32 $0x500;
	[sflag:s26] =	ssyncadd.s32 $0xFFFFD800  }
0x46: {  	[tilespmem:s21], [sflag:$0x3] =	stream.indirect.gather [hbm4b:s2+s16], $0x80, s15, s16, $0xb8;
	[tilespmem:$0x16800] =	vst v63  }
0x47: {  	_ =	swait.ge [sflag:s29], $0x2800  }
0x48: {  	[sflag:s29] =	ssyncset.done $0x0  }
0x49: {  	s13 =	sadd.s32 $0xFFFFEC00, s14;
	[sflag:s29] =	ssyncadd.s32 $0xFFFFD800  }
0x4a: {  	[hbm4b:s13+s3] =	stream.linear.scatter [tilespmem:s23], [sflag:$0xC], $0x2800, $0x38;
	[tilespmem:$0x16800] =	vst v63  }
0x4b: {  	_ =	swait.ge [sflag:s31], $0x2800  }
0x4c: {  	[sflag:s31] =	ssyncset.done $0x0  }
0x4d: {  	s15 =	simm.s32 $0x580;
	[sflag:s31] =	ssyncadd.s32 $0xFFFFD800  }
0x4e: {  	[tilespmem:s23], [sflag:$0x4] =	stream.indirect.gather [hbm4b:s2+s16], $0x80, s15, s16, $0xb8;
	[tilespmem:$0x16800] =	vst v63  }
0x4f: {  	_ =	swait.ge [sflag:s4], $0x2800  }
0x50: {  	[sflag:s4] =	ssyncset.done $0x0  }
0x51: {  	s13 =	sadd.s32 $0xFFFFF100, s14;
	[sflag:s4] =	ssyncadd.s32 $0xFFFFD800  }
0x52: {  	[hbm4b:s13+s3] =	stream.linear.scatter [tilespmem:s25], [sflag:$0xD], $0x2800, $0x38;
	[tilespmem:$0x16800] =	vst v63  }
0x53: {  	_ =	swait.ge [sflag:s5], $0x2800  }
0x54: {  	[sflag:s5] =	ssyncset.done $0x0  }
0x55: {  	s15 =	simm.s32 $0x600;
	[sflag:s5] =	ssyncadd.s32 $0xFFFFD800  }
0x56: {  	[tilespmem:s25], [sflag:$0x5] =	stream.indirect.gather [hbm4b:s2+s16], $0x80, s15, s16, $0xb8;
	[tilespmem:$0x16800] =	vst v63  }
0x57: {  	_ =	swait.ge [sflag:s6], $0x2800  }
0x58: {  	[sflag:s6] =	ssyncset.done $0x0  }
0x59: {  	s13 =	sadd.s32 $0xFFFFF600, s14;
	[sflag:s6] =	ssyncadd.s32 $0xFFFFD800  }
0x5a: {  	[hbm4b:s13+s3] =	stream.linear.scatter [tilespmem:s28], [sflag:$0xE], $0x2800, $0x38;
	[tilespmem:$0x16800] =	vst v63  }
0x5b: {  	_ =	swait.ge [sflag:s7], $0x2800  }
0x5c: {  	[sflag:s7] =	ssyncset.done $0x0  }
0x5d: {  	s15 =	simm.s32 $0x680;
	[sflag:s7] =	ssyncadd.s32 $0xFFFFD800  }
0x5e: {  	[tilespmem:s28], [sflag:$0x6] =	stream.indirect.gather [hbm4b:s2+s16], $0x80, s15, s16, $0xb8;
	[tilespmem:$0x16800] =	vst v63  }
0x5f: {  	_ =	swait.ge [sflag:s8], $0x2800  }
0x60: {  	[sflag:s8] =	ssyncset.done $0x0  }
0x61: {  	s13 =	sadd.s32 $0xFFFFFB00, s14;
	[sflag:s8] =	ssyncadd.s32 $0xFFFFD800  }
0x62: {  	[hbm4b:s13+s3] =	stream.linear.scatter [tilespmem:s30], [sflag:$0xF], $0x2800, $0x38;
	[tilespmem:$0x16800] =	vst v63  }
0x63: {  	_ =	swait.ge [sflag:s9], $0x2800  }
0x64: {  	[sflag:s9] =	ssyncset.done $0x0  }
0x65: {  	s15 =	simm.s32 $0x700;
	[sflag:s9] =	ssyncadd.s32 $0xFFFFD800  }
0x66: {  	[tilespmem:s30], [sflag:$0x7] =	stream.indirect.gather [hbm4b:s2+s16], $0x80, s15, s16, $0xb8;
	[tilespmem:$0x16800] =	vst v63  }
0x67: {  	_ =	swait.ge [sflag:s10], $0x2800  }
0x68: {  	[sflag:s10] =	ssyncset.done $0x0  }
0x69: {  	[sflag:s10] =	ssyncadd.s32 $0xFFFFD800  }
0x6a: {  	[hbm4b:s14+s3] =	stream.linear.scatter [tilespmem:s1], [sflag:$0x10], $0x2800, $0x38;
	[tilespmem:$0x16800] =	vst v63  }
0x6b: {  	_ =	swait.ge [sflag:s11], $0x2800  }
0x6c: {  	s12 =	simm.s32 $0x780;
	[sflag:s11] =	ssyncset.done $0x0  }
0x6d: {  	s13 =	simm.s32 $0x1000;
	s15 =	sadd.s32 $0x2800, s14;
	[sflag:s11] =	ssyncadd.s32 $0xFFFFD800  }
.LBB2_2:
0x6e: {  	[tilespmem:s1], [sflag:$0x8] =	stream.indirect.gather [hbm4b:s2+s16], $0x80, s12, s16, $0xb8;
	[tilespmem:$0x16800] =	vst v63  }
0x6f: {  	s12 =	smov.u32 s13  }
0x70: {  	p0 =	sne.s32 s13, $0x8000;
	s13 =	sadd.s32 $0x1000, s13;
	_ =	swait.ge [sflag:s0], $0x2800  }
0x71: {  	[sflag:s0] =	ssyncset.done $0x0  }
0x72: {  	s14 =	sadd.s32 $0xFFFFDD00, s15;
	[sflag:s0] =	ssyncadd.s32 $0xFFFFD800  }
0x73: {  	[hbm4b:s14+s3] =	stream.linear.scatter [tilespmem:s17], [sflag:$0x9], $0x2800, $0x38;
	[tilespmem:$0x16800] =	vst v63  }
0x74: {  	_ =	swait.ge [sflag:s18], $0x2800  }
0x75: {  	s12 =	sshra.s32 s12, $0x2;
	[sflag:s18] =	ssyncset.done $0x0  }
0x76: {  	s14 =	sadd.s32 $0x400, s12;
	[sflag:s18] =	ssyncadd.s32 $0xFFFFD800  }
0x77: {  	[tilespmem:s17], [sflag:$0x1] =	stream.indirect.gather [hbm4b:s2+s16], $0x80, s14, s16, $0xb8;
	[tilespmem:$0x16800] =	vst v63  }
0x78: {  	_ =	swait.ge [sflag:s20], $0x2800  }
0x79: {  	[sflag:s20] =	ssyncset.done $0x0  }
0x7a: {  	s14 =	sadd.s32 $0xFFFFE200, s15;
	[sflag:s20] =	ssyncadd.s32 $0xFFFFD800  }
0x7b: {  	[hbm4b:s14+s3] =	stream.linear.scatter [tilespmem:s19], [sflag:$0xA], $0x2800, $0x38;
	[tilespmem:$0x16800] =	vst v63  }
0x7c: {  	_ =	swait.ge [sflag:s22], $0x2800  }
0x7d: {  	[sflag:s22] =	ssyncset.done $0x0  }
0x7e: {  	s14 =	sadd.s32 $0x480, s12;
	[sflag:s22] =	ssyncadd.s32 $0xFFFFD800  }
0x7f: {  	[tilespmem:s19], [sflag:$0x2] =	stream.indirect.gather [hbm4b:s2+s16], $0x80, s14, s16, $0xb8;
	[tilespmem:$0x16800] =	vst v63  }
0x80: {  	_ =	swait.ge [sflag:s24], $0x2800  }
0x81: {  	[sflag:s24] =	ssyncset.done $0x0  }
0x82: {  	s14 =	sadd.s32 $0xFFFFE700, s15;
	[sflag:s24] =	ssyncadd.s32 $0xFFFFD800  }
0x83: {  	[hbm4b:s14+s3] =	stream.linear.scatter [tilespmem:s21], [sflag:$0xB], $0x2800, $0x38;
	[tilespmem:$0x16800] =	vst v63  }
0x84: {  	_ =	swait.ge [sflag:s26], $0x2800  }
0x85: {  	[sflag:s26] =	ssyncset.done $0x0  }
0x86: {  	s14 =	sadd.s32 $0x500, s12;
	[sflag:s26] =	ssyncadd.s32 $0xFFFFD800  }
0x87: {  	[tilespmem:s21], [sflag:$0x3] =	stream.indirect.gather [hbm4b:s2+s16], $0x80, s14, s16, $0xb8;
	[tilespmem:$0x16800] =	vst v63  }
0x88: {  	_ =	swait.ge [sflag:s29], $0x2800  }
0x89: {  	[sflag:s29] =	ssyncset.done $0x0  }
0x8a: {  	s14 =	sadd.s32 $0xFFFFEC00, s15;
	[sflag:s29] =	ssyncadd.s32 $0xFFFFD800  }
0x8b: {  	[hbm4b:s14+s3] =	stream.linear.scatter [tilespmem:s23], [sflag:$0xC], $0x2800, $0x38;
	[tilespmem:$0x16800] =	vst v63  }
0x8c: {  	_ =	swait.ge [sflag:s31], $0x2800  }
0x8d: {  	[sflag:s31] =	ssyncset.done $0x0  }
0x8e: {  	s14 =	sadd.s32 $0x580, s12;
	[sflag:s31] =	ssyncadd.s32 $0xFFFFD800  }
0x8f: {  	[tilespmem:s23], [sflag:$0x4] =	stream.indirect.gather [hbm4b:s2+s16], $0x80, s14, s16, $0xb8;
	[tilespmem:$0x16800] =	vst v63  }
0x90: {  	_ =	swait.ge [sflag:s4], $0x2800  }
0x91: {  	[sflag:s4] =	ssyncset.done $0x0  }
0x92: {  	s14 =	sadd.s32 $0xFFFFF100, s15;
	[sflag:s4] =	ssyncadd.s32 $0xFFFFD800  }
0x93: {  	[hbm4b:s14+s3] =	stream.linear.scatter [tilespmem:s25], [sflag:$0xD], $0x2800, $0x38;
	[tilespmem:$0x16800] =	vst v63  }
0x94: {  	_ =	swait.ge [sflag:s5], $0x2800  }
0x95: {  	[sflag:s5] =	ssyncset.done $0x0  }
0x96: {  	s14 =	sadd.s32 $0x600, s12;
	[sflag:s5] =	ssyncadd.s32 $0xFFFFD800  }
0x97: {  	[tilespmem:s25], [sflag:$0x5] =	stream.indirect.gather [hbm4b:s2+s16], $0x80, s14, s16, $0xb8;
	[tilespmem:$0x16800] =	vst v63  }
0x98: {  	_ =	swait.ge [sflag:s6], $0x2800  }
0x99: {  	[sflag:s6] =	ssyncset.done $0x0  }
0x9a: {  	s14 =	sadd.s32 $0xFFFFF600, s15;
	[sflag:s6] =	ssyncadd.s32 $0xFFFFD800  }
0x9b: {  	[hbm4b:s14+s3] =	stream.linear.scatter [tilespmem:s28], [sflag:$0xE], $0x2800, $0x38;
	[tilespmem:$0x16800] =	vst v63  }
0x9c: {  	_ =	swait.ge [sflag:s7], $0x2800  }
0x9d: {  	[sflag:s7] =	ssyncset.done $0x0  }
0x9e: {  	s14 =	sadd.s32 $0x680, s12;
	[sflag:s7] =	ssyncadd.s32 $0xFFFFD800  }
0x9f: {  	[tilespmem:s28], [sflag:$0x6] =	stream.indirect.gather [hbm4b:s2+s16], $0x80, s14, s16, $0xb8;
	[tilespmem:$0x16800] =	vst v63  }
0xa0: {  	_ =	swait.ge [sflag:s8], $0x2800  }
0xa1: {  	[sflag:s8] =	ssyncset.done $0x0  }
0xa2: {  	s14 =	sadd.s32 $0xFFFFFB00, s15;
	[sflag:s8] =	ssyncadd.s32 $0xFFFFD800  }
0xa3: {  	[hbm4b:s14+s3] =	stream.linear.scatter [tilespmem:s30], [sflag:$0xF], $0x2800, $0x38;
	[tilespmem:$0x16800] =	vst v63  }
0xa4: {  	_ =	swait.ge [sflag:s9], $0x2800  }
0xa5: {  	[sflag:s9] =	ssyncset.done $0x0  }
0xa6: {  	s14 =	sadd.s32 $0x700, s12;
	[sflag:s9] =	ssyncadd.s32 $0xFFFFD800  }
0xa7: {  	[tilespmem:s30], [sflag:$0x7] =	stream.indirect.gather [hbm4b:s2+s16], $0x80, s14, s16, $0xb8;
	[tilespmem:$0x16800] =	vst v63  }
0xa8: {  	_ =	swait.ge [sflag:s10], $0x2800  }
0xa9: {  	[sflag:s10] =	ssyncset.done $0x0  }
.Ltmp0:
0xaa: {  	[sflag:s10] =	ssyncadd.s32 $0xFFFFD800;
	(pc) =	sbr.rel @p0 .LBB2_2-.Ltmp0, $4  }
0xab: {  	[hbm4b:s15+s3] =	stream.linear.scatter [tilespmem:s1], [sflag:$0x10], $0x2800, $0x38;
	[tilespmem:$0x16800] =	vst v63  }
0xac: {  	_ =	swait.ge [sflag:s11], $0x2800  }
0xad: {  	[sflag:s11] =	ssyncset.done $0x0  }
0xae: {  	s12 =	sadd.s32 $0x780, s12;
	s15 =	sadd.s32 $0x2800, s15;
	[sflag:s11] =	ssyncadd.s32 $0xFFFFD800  }
0xaf: {  	[tilespmem:s1], [sflag:$0x8] =	stream.indirect.gather [hbm4b:s2+s16], $0x80, s12, s16, $0xb8;
	[tilespmem:$0x16800] =	vst v63  }
0xb0: {  	_ =	swait.ge [sflag:s0], $0x2800  }
0xb1: {  	[sflag:s0] =	ssyncset.done $0x0  }
0xb2: {  	s13 =	rddreg [dreg:$0x5];
	[sflag:s0] =	ssyncadd.s32 $0xFFFFD800  }
0xb3: {  	[hbm4b:s13+s3] =	stream.linear.scatter [tilespmem:s17], [sflag:$0x9], $0x2800, $0x38;
	[tilespmem:$0x16800] =	vst v63  }
0xb4: {  	_ =	swait.ge [sflag:s18], $0x2800  }
0xb5: {  	[sflag:s18] =	ssyncset.done $0x0  }
0xb6: {  	[sflag:s18] =	ssyncadd.s32 $0xFFFFD800  }
0xb7: {  	_ =	swait.ge [sflag:s20], $0x2800  }
0xb8: {  	[sflag:s20] =	ssyncset.done $0x0  }
0xb9: {  	s14 =	rddreg [dreg:$0x6];
	[sflag:s20] =	ssyncadd.s32 $0xFFFFD800  }
0xba: {  	[hbm4b:s14+s3] =	stream.linear.scatter [tilespmem:s19], [sflag:$0xA], $0x2800, $0x38;
	[tilespmem:$0x16800] =	vst v63  }
0xbb: {  	_ =	swait.ge [sflag:s22], $0x2800  }
0xbc: {  	[sflag:s22] =	ssyncset.done $0x0  }
0xbd: {  	[sflag:s22] =	ssyncadd.s32 $0xFFFFD800  }
0xbe: {  	_ =	swait.ge [sflag:s24], $0x2800  }
0xbf: {  	[sflag:s24] =	ssyncset.done $0x0  }
0xc0: {  	s15 =	rddreg [dreg:$0x7];
	[sflag:s24] =	ssyncadd.s32 $0xFFFFD800  }
0xc1: {  	[hbm4b:s15+s3] =	stream.linear.scatter [tilespmem:s21], [sflag:$0xB], $0x2800, $0x38;
	[tilespmem:$0x16800] =	vst v63  }
0xc2: {  	_ =	swait.ge [sflag:s26], $0x2800  }
0xc3: {  	[sflag:s26] =	ssyncset.done $0x0  }
0xc4: {  	[sflag:s26] =	ssyncadd.s32 $0xFFFFD800  }
0xc5: {  	_ =	swait.ge [sflag:s29], $0x2800  }
0xc6: {  	[sflag:s29] =	ssyncset.done $0x0  }
0xc7: {  	s13 =	rddreg [dreg:$0x8];
	[sflag:s29] =	ssyncadd.s32 $0xFFFFD800  }
0xc8: {  	[hbm4b:s13+s3] =	stream.linear.scatter [tilespmem:s23], [sflag:$0xC], $0x2800, $0x38;
	[tilespmem:$0x16800] =	vst v63  }
0xc9: {  	_ =	swait.ge [sflag:s31], $0x2800  }
0xca: {  	[sflag:s31] =	ssyncset.done $0x0  }
0xcb: {  	[sflag:s31] =	ssyncadd.s32 $0xFFFFD800  }
0xcc: {  	_ =	swait.ge [sflag:s4], $0x2800  }
0xcd: {  	[sflag:s4] =	ssyncset.done $0x0  }
0xce: {  	s14 =	rddreg [dreg:$0x9];
	[sflag:s4] =	ssyncadd.s32 $0xFFFFD800  }
0xcf: {  	[hbm4b:s14+s3] =	stream.linear.scatter [tilespmem:s25], [sflag:$0xD], $0x2800, $0x38;
	[tilespmem:$0x16800] =	vst v63  }
0xd0: {  	_ =	swait.ge [sflag:s5], $0x2800  }
0xd1: {  	[sflag:s5] =	ssyncset.done $0x0  }
0xd2: {  	[sflag:s5] =	ssyncadd.s32 $0xFFFFD800  }
0xd3: {  	_ =	swait.ge [sflag:s6], $0x2800  }
0xd4: {  	[sflag:s6] =	ssyncset.done $0x0  }
0xd5: {  	s15 =	rddreg [dreg:$0xa];
	[sflag:s6] =	ssyncadd.s32 $0xFFFFD800  }
0xd6: {  	[hbm4b:s15+s3] =	stream.linear.scatter [tilespmem:s28], [sflag:$0xE], $0x2800, $0x38;
	[tilespmem:$0x16800] =	vst v63  }
0xd7: {  	_ =	swait.ge [sflag:s7], $0x2800  }
0xd8: {  	[sflag:s7] =	ssyncset.done $0x0  }
0xd9: {  	[sflag:s7] =	ssyncadd.s32 $0xFFFFD800  }
0xda: {  	_ =	swait.ge [sflag:s8], $0x2800  }
0xdb: {  	[sflag:s8] =	ssyncset.done $0x0  }
0xdc: {  	s13 =	rddreg [dreg:$0xb];
	[sflag:s8] =	ssyncadd.s32 $0xFFFFD800  }
0xdd: {  	[hbm4b:s13+s3] =	stream.linear.scatter [tilespmem:s30], [sflag:$0xF], $0x2800, $0x38;
	[tilespmem:$0x16800] =	vst v63  }
0xde: {  	_ =	swait.ge [sflag:s9], $0x2800  }
0xdf: {  	[sflag:s9] =	ssyncset.done $0x0  }
0xe0: {  	[sflag:s9] =	ssyncadd.s32 $0xFFFFD800  }
0xe1: {  	_ =	swait.ge [sflag:s10], $0x2800  }
0xe2: {  	[sflag:s10] =	ssyncset.done $0x0  }
0xe3: {  	s14 =	rddreg [dreg:$0xc];
	[sflag:s10] =	ssyncadd.s32 $0xFFFFD800  }
0xe4: {  	[hbm4b:s14+s3] =	stream.linear.scatter [tilespmem:s1], [sflag:$0x10], $0x2800, $0x38;
	[tilespmem:$0x16800] =	vst v63  }
0xe5: {  	_ =	swait.ge [sflag:s11], $0x2800  }
0xe6: {  	s13 =	rddreg [dreg:$0xf]  }
0xe7: {  	s15 =	rddreg [dreg:$0xd];
	s13 =	sadd.s32 $0x1, s13  }
0xe8: {  	p0 =	sne.s32 s13, s15  }
.Ltmp1:
0xe9: {  	_ = 	snop;
	(pc) =	sbr.rel @p0 .LBB2_1-.Ltmp1, $3  }
0xea: {  	_ =	sdelay $0x1  }
0xeb: {  	[sflag:s11] =	ssyncset.done $0x0  }
0xec: {  	[sflag:s11] =	ssyncadd.s32 $0xFFFFD800  }
0xed: {  	_ =	sfence.sel $0x180000  }
0xee: {  	[bflag:$0x0] =	sbarrier.arrive $0xFFFF  }
0xef: {  	_ =	strace $0x90000047  }
0xf0: {  	s0 =	stileid.u32;
	[bflag:$0x2] =	sbarrier.arrive $0xFFFF  }
0xf1: {  	p0 =	sne.s32 s0, $0x0;
	s0 =	rddreg [dreg:$0x3]  }
0xf2: {  	s0 =	sadd.s32 @!p0 $0x100000, s0  }
0xf3: {  	[sflag:s0] =	ssyncadd.tile.s32 @!p0 $0x1;
	_ =	shalt  }
.Lfunc_end2:
_tile_overlayer_lowered:
.L_overlay_start_2:
0xf4: {  	(tag) =	ssettag $0x2  }
0xf5: {  	s0 =	rddreg [dreg:$0x0];
	s2 =	stileid.u32  }
0xf6: {  	s1 =	rddreg [dreg:$0x1];
	p0 =	sne.s32 s2, $0x0  }
0xf7: {  	s3 =	rddreg [dreg:$0x2];
	[bflag:$0x3] =	sbarrier.arrive $0xFFFF;
	s2 =	simm.s32 @!p0 $0x1C11  }
0xf8: {  	[timem:s3], [sflag:s2] =	dma.local @!p0 [hbm:s0], s1  }
0xf9: {  	s0 =	simm.s32 @!p0 $0x11  }
0xfa: {  	_ =	swait.ge @!p0 [sflag:s0], s1  }
0xfb: {  	s1 =	ssub.s32 @!p0 $0x0, s1;
	[sflag:s0] =	ssyncset.done @!p0 $0x0  }
0xfc: {  	[sflag:s0] =	ssyncadd.s32 @!p0 s1  }
0xfd: {  	[bflag:$0x3] =	sbarrier.arrive $0xFFFF  }
0xfe: {  	_ =	shalt  }

</sc_bundles>
